<compile_context>
chip_gen: v7x
topology: tpu7x:2x2x1
jax: 0.10.2.dev20260603
libtpu: 0.0.44.dev20260713+nightly
codegen_flags: <defaults>
</compile_context>

<pallas_src>
import functools

import numpy as np
import jax
import jax.numpy as jnp
from jax import lax
from jax.experimental import pallas as pl
from jax.experimental.pallas import tpu as pltpu
from jax.experimental.pallas import tpu_sc as plsc

_NC, _NS, _L = 2, 16, 16
_NW = _NC * _NS
_P = 0.15


def _threefry2x32(k0, k1, x0, x1):
    x0 = x0.astype(np.uint32).copy()
    x1 = x1.astype(np.uint32).copy()

    def rotl(v, r):
        return ((v << np.uint32(r)) | (v >> np.uint32(32 - r))).astype(np.uint32)

    ks0 = np.uint32(k0)
    ks1 = np.uint32(k1)
    ks2 = np.uint32(ks0 ^ ks1 ^ np.uint32(0x1BD11BDA))
    ks = (ks0, ks1, ks2)
    x0 = (x0 + ks0).astype(np.uint32)
    x1 = (x1 + ks1).astype(np.uint32)
    r1 = (13, 15, 26, 6)
    r2 = (17, 29, 16, 24)
    for r in range(5):
        for rot in (r1 if r % 2 == 0 else r2):
            x0 = (x0 + x1).astype(np.uint32)
            x1 = rotl(x1, rot) ^ x0
        x0 = (x0 + ks[(r + 1) % 3]).astype(np.uint32)
        x1 = (x1 + ks[(r + 2) % 3] + np.uint32(r + 1)).astype(np.uint32)
    return x0, x1


def _np_bits(k0, k1, n):
    y0, y1 = _threefry2x32(k0, k1, np.zeros(n, np.uint32),
                           np.arange(n, dtype=np.uint32))
    return y0 ^ y1


def _np_split(k0, k1):
    y0, y1 = _threefry2x32(k0, k1, np.zeros(2, np.uint32),
                           np.arange(2, dtype=np.uint32))
    return (y0[0], y1[0]), (y0[1], y1[1])


def _np_uniform(k0, k1, m):
    bits = _np_bits(k0, k1, m)
    fb = (bits >> np.uint32(9)) | np.uint32(0x3F800000)
    return fb.view(np.float32) - np.float32(1.0)


@functools.lru_cache(maxsize=None)
def _swap_plan(b, c):
    n = b * c
    (k10, k11), (k20, k21) = _np_split(0, 42)
    u1 = _np_uniform(k10, k11, n).reshape(b, c)
    u2 = _np_uniform(k20, k21, n).reshape(b, c)
    mask = u1 > np.float32(1.0 - _P)
    rows = np.floor(u2 * np.float32(b)).astype(np.int32)
    delta = (rows.astype(np.int64) * mask.astype(np.int64) * c).reshape(-1)
    src = np.arange(n, dtype=np.int64) + delta
    src = np.where(src >= n, src - n, src).astype(np.int32)

    rows_per = b // _NW
    cs = rows_per * c
    swapped = np.nonzero(src != np.arange(n, dtype=np.int32))[0].astype(np.int64)
    dw = (swapped // cs).astype(np.int32)
    sw = (src[swapped] // cs).astype(np.int32)

    cnt = np.zeros((_NW, _NW), dtype=np.int64)
    np.add.at(cnt, (sw, dw), 1)
    padq = int(-(-cnt.max() // 8) * 8)
    k1 = _NW * padq

    kmaxd = np.bincount(dw, minlength=_NW).max()
    kpad = int(-(-kmaxd // _L) * _L)

    srcrc_all = np.zeros((_NW, k1), dtype=np.int32)
    pos_all = np.zeros((_NW, kpad), dtype=np.int32)
    drc_all = np.empty((_NW, kpad), dtype=np.int32)
    drc_all[:] = (rows_per << 7) + (np.arange(kpad, dtype=np.int32) % _L)

    fill_d = np.zeros(_NW, dtype=np.int64)
    rank_in_pair = np.zeros((_NW, _NW), dtype=np.int64)
    for ws in range(_NW):
        sel = np.nonzero(sw == ws)[0]
        ents = swapped[sel]
        esrc = src[ents]
        edw = dw[sel]
        sloc = esrc - np.int64(ws) * cs
        srcrc = ((sloc // c) << 7) + (sloc % c)
        ranks = np.empty(len(sel), dtype=np.int64)
        for i, wdv in enumerate(edw):
            ranks[i] = rank_in_pair[ws, wdv]
            rank_in_pair[ws, wdv] += 1
        slots = edw.astype(np.int64) * padq + ranks
        srcrc_all[ws, slots] = srcrc.astype(np.int32)
        for i, wdv in enumerate(edw):
            j = fill_d[wdv]
            pos_all[wdv, j] = ws * padq + ranks[i]
            dl = ents[i] - np.int64(wdv) * cs
            drc_all[wdv, j] = ((dl // c) << 7) + (dl % c)
            fill_d[wdv] += 1
    return rows_per, padq, kpad, srcrc_all, pos_all, drc_all


@functools.lru_cache(maxsize=None)
def _build(b, c):
    rows_per, padq, kpad, srcrc_all, pos_all, drc_all = _swap_plan(b, c)
    k1 = _NW * padq
    nmid = _NW * k1
    mesh = plsc.VectorSubcoreMesh(core_axis_name="c", subcore_axis_name="s",
                                  num_cores=_NC, num_subcores=_NS)

    @functools.partial(
        pl.kernel,
        out_type=jax.ShapeDtypeStruct((nmid,), jnp.float32),
        mesh=mesh,
        scratch_types=[
            pltpu.VMEM((rows_per, c), jnp.float32),
            pltpu.VMEM((k1,), jnp.int32),
            pltpu.VMEM((k1,), jnp.float32),
            pltpu.SemaphoreType.DMA,
        ],
        compiler_params=pltpu.CompilerParams(needs_layout_passes=False),
    )
    def extract(x_hbm, srcrc_hbm, mid_hbm, chunk_v, rc_v, seg_v, sem_c):
        ws = lax.axis_index("s") * _NC + lax.axis_index("c")
        cp_in = pltpu.make_async_copy(
            x_hbm.at[pl.ds(ws * rows_per, rows_per), :], chunk_v, sem_c)
        cp_in.start()
        pltpu.sync_copy(srcrc_hbm.at[ws], rc_v)
        cp_in.wait()

        @plsc.parallel_loop(0, k1, step=_L, unroll=8)
        def ext(i):
            rc = rc_v[pl.ds(i, _L)]
            r = lax.shift_right_logical(rc, 7)
            col = lax.bitwise_and(rc, 127)
            seg_v[pl.ds(i, _L)] = plsc.load_gather(chunk_v, [r, col])

        outs = []
        for wd in range(_NW):
            outs.append(pltpu.make_async_copy(
                seg_v.at[pl.ds(wd * padq, padq)],
                mid_hbm.at[pl.ds((wd * _NW + ws) * padq, padq)], sem_c))
            outs[-1].start()
        for g in outs:
            g.wait()

    @functools.partial(
        pl.kernel,
        out_type=jax.ShapeDtypeStruct((b, c), jnp.float32),
        mesh=mesh,
        scratch_types=[
            pltpu.VMEM((rows_per + 1, c), jnp.float32),
            pltpu.VMEM((k1,), jnp.float32),
            pltpu.VMEM((2 * kpad,), jnp.int32),
            pltpu.SemaphoreType.DMA,
            pltpu.SemaphoreType.DMA,
        ],
        compiler_params=pltpu.CompilerParams(needs_layout_passes=False),
    )
    def patch(x_hbm, mid_hbm, pd_hbm, out_hbm,
              chunk_v, inc_v, pd_v, sem_c, sem_m):
        wd = lax.axis_index("s") * _NC + lax.axis_index("c")
        row0 = wd * rows_per
        cp_in = pltpu.make_async_copy(
            x_hbm.at[pl.ds(row0, rows_per), :],
            chunk_v.at[pl.ds(0, rows_per), :], sem_c)
        cp_in.start()
        inc = pltpu.make_async_copy(
            mid_hbm.at[pl.ds(wd * k1, k1)], inc_v, sem_m)
        inc.start()
        pltpu.sync_copy(pd_hbm.at[wd], pd_v)
        inc.wait()
        cp_in.wait()

        @plsc.parallel_loop(0, kpad, step=_L, unroll=8)
        def fix(i):
            pos = pd_v[pl.ds(i, _L)]
            rc = pd_v[pl.ds(kpad + i, _L)]
            r = lax.shift_right_logical(rc, 7)
            col = lax.bitwise_and(rc, 127)
            vals = plsc.load_gather(inc_v, [pos])
            plsc.store_scatter(chunk_v, [r, col], vals)

        pltpu.sync_copy(chunk_v.at[pl.ds(0, rows_per), :],
                        out_hbm.at[pl.ds(row0, rows_per), :])

    rc_const = jnp.asarray(srcrc_all)
    pd_const = jnp.asarray(np.concatenate([pos_all, drc_all], axis=1))

    def run(x):
        mid = extract(x, rc_const)
        return patch(x, mid, pd_const)

    return run


def kernel(x):
    b, c = x.shape
    return _build(b, c)(x)

# --- scband reference (transcript-rebuilt; emitter-appended) ---
"""Pipeline reference for scband-batch-swap-noise-50259707298375 (READ-ONLY COPY).

The authoritative reference and input builder live on the scoring server;
editing this copy changes nothing except your own understanding.
"""

import jax, jax.numpy as jnp
import numpy as np

P = 0.15
B, C = 16384, 100

def setup_inputs(seed: int = 0) -> dict:
    key = jax.random.key(seed)
    x = jax.random.normal(key, (B, C), dtype=jnp.float32)
    return {"x": x}

def reference(x):
    # Faithful translation of BatchSwapNoise.forward in training mode.
    # mask = rand(x.size()) > 1 - p
    # idx  = arange(nelement) + (floor(rand(x.size()) * B).long() * (mask.long() * C)).view(-1)
    # idx[idx >= nelement] -= nelement
    # return x.view(-1)[idx].view(x.size())
    key = jax.random.key(42)
    k1, k2 = jax.random.split(key)
    b, c = x.shape
    n = b * c
    mask = jax.random.uniform(k1, x.shape) > (1.0 - P)
    rows = jnp.floor(jax.random.uniform(k2, x.shape) * b).astype(jnp.int32)
    idx = jnp.arange(n, dtype=jnp.int32) + (rows * (mask.astype(jnp.int32) * c)).reshape(-1)
    idx = jnp.where(idx >= n, idx - n, idx)
    out = x.reshape(-1)[idx].reshape(x.shape)
    return out

if __name__ == "__main__":
    import jax
    _d = setup_inputs()
    print(jax.jit(kernel)(*tuple(_d.values())))

</pallas_src>

<mosaic_0001>
#map = affine_map<(d0, d1) -> (0, 0)>
#map1 = affine_map<(d0, d1) -> (0)>
module attributes {stable_mosaic.version = 14 : i64} {
  func.func @patch(%arg0: i32, %arg1: i32, %arg2: memref<16384x100xf32, #tpu.memory_space<hbm>>, %arg3: memref<294912xf32, #tpu.memory_space<hbm>>, %arg4: memref<32x15680xi32, #tpu.memory_space<hbm>>, %arg5: memref<16384x100xf32, #tpu.memory_space<hbm>>, %arg6: memref<513x100xf32, #tpu.memory_space<vmem>>, %arg7: memref<9216xf32, #tpu.memory_space<vmem>>, %arg8: memref<15680xi32, #tpu.memory_space<vmem>>, %arg9: memref<!tpu.dma_semaphore, #tpu.memory_space<semaphore_mem>>, %arg10: memref<!tpu.dma_semaphore, #tpu.memory_space<semaphore_mem>>) attributes {dimension_semantics = [#tpu.dimension_semantics<core_parallel>, #tpu.dimension_semantics<subcore_parallel>], iteration_bounds = array<i64: 2, 16>, scalar_prefetch = 0 : i64, scratch_operands = 5 : i64, tpu.core_type = #tpu.core_type<sc_vector_subcore>, window_params = [{transform_indices = #map}, {transform_indices = #map1}, {transform_indices = #map}, {transform_indices = #map}]} {
    %mul3A = arith.constant 2 : i32
    %mul3A_0 = arith.muli %arg1, %mul3A : i32
    %add3A = arith.addi %mul3A_0, %arg0 : i32
    %mul3A_1 = arith.constant 512 : i32
    %mul3A_2 = arith.muli %add3A, %mul3A_1 : i32
    %dma_start3A = arith.constant 0 : i32
    %dma_start3A_3 = arith.constant 0 : i32
    %dma_start3A_4 = tpu.memref_slice %arg6[%dma_start3A, %dma_start3A_3] : memref<513x100xf32, #tpu.memory_space<vmem>> -> memref<512x100xf32, #tpu.memory_space<vmem>>
    %dma_start3A_5 = arith.constant 0 : i32
    %dma_start3A_6 = tpu.memref_slice %arg2[%mul3A_2, %dma_start3A_5] : memref<16384x100xf32, #tpu.memory_space<hbm>> -> memref<512x100xf32, #tpu.memory_space<hbm>>
    %dma_start3A_7 = arith.constant 0 : i32
    %dma_start3A_8 = arith.constant 0 : i32
    %dma_start3A_9 = tpu.memref_slice %arg6[%dma_start3A_7, %dma_start3A_8] : memref<513x100xf32, #tpu.memory_space<vmem>> -> memref<512x100xf32, #tpu.memory_space<vmem>>
    %dma_start3A_10 = arith.constant 0 : i32
    %dma_start3A_11 = tpu.memref_slice %arg2[%mul3A_2, %dma_start3A_10] : memref<16384x100xf32, #tpu.memory_space<hbm>> -> memref<512x100xf32, #tpu.memory_space<hbm>>
    tpu.enqueue_dma source(%dma_start3A_11 : memref<512x100xf32, #tpu.memory_space<hbm>>) target(%dma_start3A_9 : memref<512x100xf32, #tpu.memory_space<vmem>>) target_semaphore(%arg9 : memref<!tpu.dma_semaphore, #tpu.memory_space<semaphore_mem>>)
    %mul3A_12 = arith.constant 9216 : i32
    %mul3A_13 = arith.muli %add3A, %mul3A_12 : i32
    %dma_start3A_14 = tpu.memref_slice %arg3[%mul3A_13] : memref<294912xf32, #tpu.memory_space<hbm>> -> memref<9216xf32, #tpu.memory_space<hbm>>
    %dma_start3A_15 = tpu.memref_slice %arg3[%mul3A_13] : memref<294912xf32, #tpu.memory_space<hbm>> -> memref<9216xf32, #tpu.memory_space<hbm>>
    tpu.enqueue_dma source(%dma_start3A_15 : memref<9216xf32, #tpu.memory_space<hbm>>) target(%arg7 : memref<9216xf32, #tpu.memory_space<vmem>>) target_semaphore(%arg10 : memref<!tpu.dma_semaphore, #tpu.memory_space<semaphore_mem>>)
    "tpu.region"() ({
      %run_scoped3A = tpu.sem_alloc : memref<!tpu.dma_semaphore, #tpu.memory_space<semaphore_mem>>
      %dma_start3A_29 = arith.constant 0 : i32
      %dma_start3A_30 = tpu.memref_slice %arg4[%add3A, %dma_start3A_29] : memref<32x15680xi32, #tpu.memory_space<hbm>> -> memref<1x15680xi32, #tpu.memory_space<hbm>>
      %dma_start3A_31 = tpu.memref_squeeze %dma_start3A_30 : memref<1x15680xi32, #tpu.memory_space<hbm>> -> memref<15680xi32, #tpu.memory_space<hbm>>
      %dma_start3A_32 = arith.constant 0 : i32
      %dma_start3A_33 = tpu.memref_slice %arg4[%add3A, %dma_start3A_32] : memref<32x15680xi32, #tpu.memory_space<hbm>> -> memref<1x15680xi32, #tpu.memory_space<hbm>>
      %dma_start3A_34 = tpu.memref_squeeze %dma_start3A_33 : memref<1x15680xi32, #tpu.memory_space<hbm>> -> memref<15680xi32, #tpu.memory_space<hbm>>
      tpu.enqueue_dma source(%dma_start3A_34 : memref<15680xi32, #tpu.memory_space<hbm>>) target(%arg8 : memref<15680xi32, #tpu.memory_space<vmem>>) target_semaphore(%run_scoped3A : memref<!tpu.dma_semaphore, #tpu.memory_space<semaphore_mem>>)
      %dma_wait3A_35 = arith.constant 0 : i32
      %dma_wait3A_36 = tpu.memref_slice %arg4[%add3A, %dma_wait3A_35] : memref<32x15680xi32, #tpu.memory_space<hbm>> -> memref<1x15680xi32, #tpu.memory_space<hbm>>
      %dma_wait3A_37 = tpu.memref_squeeze %dma_wait3A_36 : memref<1x15680xi32, #tpu.memory_space<hbm>> -> memref<15680xi32, #tpu.memory_space<hbm>>
      %dma_wait3A_38 = arith.constant 0 : i32
      %dma_wait3A_39 = tpu.memref_slice %arg4[%add3A, %dma_wait3A_38] : memref<32x15680xi32, #tpu.memory_space<hbm>> -> memref<1x15680xi32, #tpu.memory_space<hbm>>
      %dma_wait3A_40 = tpu.memref_squeeze %dma_wait3A_39 : memref<1x15680xi32, #tpu.memory_space<hbm>> -> memref<15680xi32, #tpu.memory_space<hbm>>
      tpu.wait_dma2 semaphore(%run_scoped3A : memref<!tpu.dma_semaphore, #tpu.memory_space<semaphore_mem>>) src(%dma_wait3A_40 : memref<15680xi32, #tpu.memory_space<hbm>>) dst(%arg8 : memref<15680xi32, #tpu.memory_space<vmem>>)
      tpu.yield
    }) : () -> ()
    %dma_wait3A = tpu.memref_slice %arg3[%mul3A_13] : memref<294912xf32, #tpu.memory_space<hbm>> -> memref<9216xf32, #tpu.memory_space<hbm>>
    %dma_wait3A_16 = tpu.memref_slice %arg3[%mul3A_13] : memref<294912xf32, #tpu.memory_space<hbm>> -> memref<9216xf32, #tpu.memory_space<hbm>>
    tpu.wait_dma2 semaphore(%arg10 : memref<!tpu.dma_semaphore, #tpu.memory_space<semaphore_mem>>) src(%dma_wait3A_16 : memref<9216xf32, #tpu.memory_space<hbm>>) dst(%arg7 : memref<9216xf32, #tpu.memory_space<vmem>>)
    %dma_wait3A_17 = arith.constant 0 : i32
    %dma_wait3A_18 = arith.constant 0 : i32
    %dma_wait3A_19 = tpu.memref_slice %arg6[%dma_wait3A_17, %dma_wait3A_18] : memref<513x100xf32, #tpu.memory_space<vmem>> -> memref<512x100xf32, #tpu.memory_space<vmem>>
    %dma_wait3A_20 = arith.constant 0 : i32
    %dma_wait3A_21 = tpu.memref_slice %arg2[%mul3A_2, %dma_wait3A_20] : memref<16384x100xf32, #tpu.memory_space<hbm>> -> memref<512x100xf32, #tpu.memory_space<hbm>>
    %dma_wait3A_22 = arith.constant 0 : i32
    %dma_wait3A_23 = arith.constant 0 : i32
    %dma_wait3A_24 = tpu.memref_slice %arg6[%dma_wait3A_22, %dma_wait3A_23] : memref<513x100xf32, #tpu.memory_space<vmem>> -> memref<512x100xf32, #tpu.memory_space<vmem>>
    %dma_wait3A_25 = arith.constant 0 : i32
    %dma_wait3A_26 = tpu.memref_slice %arg2[%mul3A_2, %dma_wait3A_25] : memref<16384x100xf32, #tpu.memory_space<hbm>> -> memref<512x100xf32, #tpu.memory_space<hbm>>
    tpu.wait_dma2 semaphore(%arg9 : memref<!tpu.dma_semaphore, #tpu.memory_space<semaphore_mem>>) src(%dma_wait3A_26 : memref<512x100xf32, #tpu.memory_space<hbm>>) dst(%dma_wait3A_24 : memref<512x100xf32, #tpu.memory_space<vmem>>)
    %parallel_loop3A = arith.constant 0 : i32
    %parallel_loop3A_27 = arith.constant 7840 : i32
    %parallel_loop3A_28 = arith.constant 16 : i32
    scf.for %parallel_loop3A_29 = %parallel_loop3A to %parallel_loop3A_27 step %parallel_loop3A_28  : i32 {
      %parallel_loop3A_30 = arith.index_cast %parallel_loop3A_29 : i32 to index
      %parallel_loop3A_31 = tpu.vector_load %arg8[%parallel_loop3A_30] {strides = array<i32>} : memref<15680xi32, #tpu.memory_space<vmem>>, vector<16xi32>,
      %parallel_loop3A_32 = arith.constant 7840 : i32
      %parallel_loop3A_33 = arith.addi %parallel_loop3A_32, %parallel_loop3A_29 : i32
      %parallel_loop3A_34 = arith.index_cast %parallel_loop3A_33 : i32 to index
      %parallel_loop3A_35 = tpu.vector_load %arg8[%parallel_loop3A_34] {strides = array<i32>} : memref<15680xi32, #tpu.memory_space<vmem>>, vector<16xi32>,
      %parallel_loop3A_36 = arith.constant 7 : i32
      %parallel_loop3A_37 = vector.broadcast %parallel_loop3A_36 : i32 to vector<16xi32>
      %parallel_loop3A_38 = arith.shrui %parallel_loop3A_35, %parallel_loop3A_37 : vector<16xi32>
      %parallel_loop3A_39 = arith.constant 127 : i32
      %parallel_loop3A_40 = vector.broadcast %parallel_loop3A_39 : i32 to vector<16xi32>
      %parallel_loop3A_41 = arith.andi %parallel_loop3A_35, %parallel_loop3A_40 : vector<16xi32>
      %parallel_loop3A_42 = tpu.vector_load_idx %arg7[%parallel_loop3A_31] : memref<9216xf32, #tpu.memory_space<vmem>>[vector<16xi32>], vector<16xf32>,
      tpu.vector_store_idx %arg6[%parallel_loop3A_38, %parallel_loop3A_41], %parallel_loop3A_42 : memref<513x100xf32, #tpu.memory_space<vmem>>[vector<16xi32>, vector<16xi32>], vector<16xf32>,
    } {sc.loop_unroll_factor = 8 : i64, sc.parallel_access}
    "tpu.region"() ({
      %run_scoped3A = tpu.sem_alloc : memref<!tpu.dma_semaphore, #tpu.memory_space<semaphore_mem>>
      %dma_start3A_29 = arith.constant 0 : i32
      %dma_start3A_30 = arith.constant 0 : i32
      %dma_start3A_31 = tpu.memref_slice %arg6[%dma_start3A_29, %dma_start3A_30] : memref<513x100xf32, #tpu.memory_space<vmem>> -> memref<512x100xf32, #tpu.memory_space<vmem>>
      %dma_start3A_32 = arith.constant 0 : i32
      %dma_start3A_33 = tpu.memref_slice %arg5[%mul3A_2, %dma_start3A_32] : memref<16384x100xf32, #tpu.memory_space<hbm>> -> memref<512x100xf32, #tpu.memory_space<hbm>>
      %dma_start3A_34 = arith.constant 0 : i32
      %dma_start3A_35 = tpu.memref_slice %arg5[%mul3A_2, %dma_start3A_34] : memref<16384x100xf32, #tpu.memory_space<hbm>> -> memref<512x100xf32, #tpu.memory_space<hbm>>
      %dma_start3A_36 = arith.constant 0 : i32
      %dma_start3A_37 = arith.constant 0 : i32
      %dma_start3A_38 = tpu.memref_slice %arg6[%dma_start3A_36, %dma_start3A_37] : memref<513x100xf32, #tpu.memory_space<vmem>> -> memref<512x100xf32, #tpu.memory_space<vmem>>
      tpu.enqueue_dma source(%dma_start3A_38 : memref<512x100xf32, #tpu.memory_space<vmem>>) target(%dma_start3A_35 : memref<512x100xf32, #tpu.memory_space<hbm>>) target_semaphore(%run_scoped3A : memref<!tpu.dma_semaphore, #tpu.memory_space<semaphore_mem>>)
      %dma_wait3A_39 = arith.constant 0 : i32
      %dma_wait3A_40 = arith.constant 0 : i32
      %dma_wait3A_41 = tpu.memref_slice %arg6[%dma_wait3A_39, %dma_wait3A_40] : memref<513x100xf32, #tpu.memory_space<vmem>> -> memref<512x100xf32, #tpu.memory_space<vmem>>
      %dma_wait3A_42 = arith.constant 0 : i32
      %dma_wait3A_43 = tpu.memref_slice %arg5[%mul3A_2, %dma_wait3A_42] : memref<16384x100xf32, #tpu.memory_space<hbm>> -> memref<512x100xf32, #tpu.memory_space<hbm>>
      %dma_wait3A_44 = arith.constant 0 : i32
      %dma_wait3A_45 = tpu.memref_slice %arg5[%mul3A_2, %dma_wait3A_44] : memref<16384x100xf32, #tpu.memory_space<hbm>> -> memref<512x100xf32, #tpu.memory_space<hbm>>
      %dma_wait3A_46 = arith.constant 0 : i32
      %dma_wait3A_47 = arith.constant 0 : i32
      %dma_wait3A_48 = tpu.memref_slice %arg6[%dma_wait3A_46, %dma_wait3A_47] : memref<513x100xf32, #tpu.memory_space<vmem>> -> memref<512x100xf32, #tpu.memory_space<vmem>>
      tpu.wait_dma2 semaphore(%run_scoped3A : memref<!tpu.dma_semaphore, #tpu.memory_space<semaphore_mem>>) src(%dma_wait3A_48 : memref<512x100xf32, #tpu.memory_space<vmem>>) dst(%dma_wait3A_45 : memref<512x100xf32, #tpu.memory_space<hbm>>)
      tpu.yield
    }) : () -> ()
    return
  }
}

#map = affine_map<(d0, d1) -> (0, 0)>
#map1 = affine_map<(d0, d1) -> (0)>
module attributes {stable_mosaic.version = 14 : i64} {
  func.func @extract(%arg0: i32, %arg1: i32, %arg2: memref<16384x100xf32, #tpu.memory_space<hbm>>, %arg3: memref<32x9216xi32, #tpu.memory_space<hbm>>, %arg4: memref<294912xf32, #tpu.memory_space<hbm>>, %arg5: memref<512x100xf32, #tpu.memory_space<vmem>>, %arg6: memref<9216xi32, #tpu.memory_space<vmem>>, %arg7: memref<9216xf32, #tpu.memory_space<vmem>>, %arg8: memref<!tpu.dma_semaphore, #tpu.memory_space<semaphore_mem>>) attributes {dimension_semantics = [#tpu.dimension_semantics<core_parallel>, #tpu.dimension_semantics<subcore_parallel>], iteration_bounds = array<i64: 2, 16>, scalar_prefetch = 0 : i64, scratch_operands = 4 : i64, tpu.core_type = #tpu.core_type<sc_vector_subcore>, window_params = [{transform_indices = #map}, {transform_indices = #map}, {transform_indices = #map1}]} {
    %mul3A = arith.constant 2 : i32
    %mul3A_0 = arith.muli %arg1, %mul3A : i32
    %add3A = arith.addi %mul3A_0, %arg0 : i32
    %mul3A_1 = arith.constant 512 : i32
    %mul3A_2 = arith.muli %add3A, %mul3A_1 : i32
    %dma_start3A = arith.constant 0 : i32
    %dma_start3A_3 = tpu.memref_slice %arg2[%mul3A_2, %dma_start3A] : memref<16384x100xf32, #tpu.memory_space<hbm>> -> memref<512x100xf32, #tpu.memory_space<hbm>>
    %dma_start3A_4 = arith.constant 0 : i32
    %dma_start3A_5 = tpu.memref_slice %arg2[%mul3A_2, %dma_start3A_4] : memref<16384x100xf32, #tpu.memory_space<hbm>> -> memref<512x100xf32, #tpu.memory_space<hbm>>
    tpu.enqueue_dma source(%dma_start3A_5 : memref<512x100xf32, #tpu.memory_space<hbm>>) target(%arg5 : memref<512x100xf32, #tpu.memory_space<vmem>>) target_semaphore(%arg8 : memref<!tpu.dma_semaphore, #tpu.memory_space<semaphore_mem>>)
    "tpu.region"() ({
      %run_scoped3A = tpu.sem_alloc : memref<!tpu.dma_semaphore, #tpu.memory_space<semaphore_mem>>
      %dma_start3A_523 = arith.constant 0 : i32
      %dma_start3A_524 = tpu.memref_slice %arg3[%add3A, %dma_start3A_523] : memref<32x9216xi32, #tpu.memory_space<hbm>> -> memref<1x9216xi32, #tpu.memory_space<hbm>>
      %dma_start3A_525 = tpu.memref_squeeze %dma_start3A_524 : memref<1x9216xi32, #tpu.memory_space<hbm>> -> memref<9216xi32, #tpu.memory_space<hbm>>
      %dma_start3A_526 = arith.constant 0 : i32
      %dma_start3A_527 = tpu.memref_slice %arg3[%add3A, %dma_start3A_526] : memref<32x9216xi32, #tpu.memory_space<hbm>> -> memref<1x9216xi32, #tpu.memory_space<hbm>>
      %dma_start3A_528 = tpu.memref_squeeze %dma_start3A_527 : memref<1x9216xi32, #tpu.memory_space<hbm>> -> memref<9216xi32, #tpu.memory_space<hbm>>
      tpu.enqueue_dma source(%dma_start3A_528 : memref<9216xi32, #tpu.memory_space<hbm>>) target(%arg6 : memref<9216xi32, #tpu.memory_space<vmem>>) target_semaphore(%run_scoped3A : memref<!tpu.dma_semaphore, #tpu.memory_space<semaphore_mem>>)
      %dma_wait3A_529 = arith.constant 0 : i32
      %dma_wait3A_530 = tpu.memref_slice %arg3[%add3A, %dma_wait3A_529] : memref<32x9216xi32, #tpu.memory_space<hbm>> -> memref<1x9216xi32, #tpu.memory_space<hbm>>
      %dma_wait3A_531 = tpu.memref_squeeze %dma_wait3A_530 : memref<1x9216xi32, #tpu.memory_space<hbm>> -> memref<9216xi32, #tpu.memory_space<hbm>>
      %dma_wait3A_532 = arith.constant 0 : i32
      %dma_wait3A_533 = tpu.memref_slice %arg3[%add3A, %dma_wait3A_532] : memref<32x9216xi32, #tpu.memory_space<hbm>> -> memref<1x9216xi32, #tpu.memory_space<hbm>>
      %dma_wait3A_534 = tpu.memref_squeeze %dma_wait3A_533 : memref<1x9216xi32, #tpu.memory_space<hbm>> -> memref<9216xi32, #tpu.memory_space<hbm>>
      tpu.wait_dma2 semaphore(%run_scoped3A : memref<!tpu.dma_semaphore, #tpu.memory_space<semaphore_mem>>) src(%dma_wait3A_534 : memref<9216xi32, #tpu.memory_space<hbm>>) dst(%arg6 : memref<9216xi32, #tpu.memory_space<vmem>>)
      tpu.yield
    }) : () -> ()
    %dma_wait3A = arith.constant 0 : i32
    %dma_wait3A_6 = tpu.memref_slice %arg2[%mul3A_2, %dma_wait3A] : memref<16384x100xf32, #tpu.memory_space<hbm>> -> memref<512x100xf32, #tpu.memory_space<hbm>>
    %dma_wait3A_7 = arith.constant 0 : i32
    %dma_wait3A_8 = tpu.memref_slice %arg2[%mul3A_2, %dma_wait3A_7] : memref<16384x100xf32, #tpu.memory_space<hbm>> -> memref<512x100xf32, #tpu.memory_space<hbm>>
    tpu.wait_dma2 semaphore(%arg8 : memref<!tpu.dma_semaphore, #tpu.memory_space<semaphore_mem>>) src(%dma_wait3A_8 : memref<512x100xf32, #tpu.memory_space<hbm>>) dst(%arg5 : memref<512x100xf32, #tpu.memory_space<vmem>>)
    %parallel_loop3A = arith.constant 0 : i32
    %parallel_loop3A_9 = arith.constant 9216 : i32
    %parallel_loop3A_10 = arith.constant 16 : i32
    scf.for %parallel_loop3A_523 = %parallel_loop3A to %parallel_loop3A_9 step %parallel_loop3A_10  : i32 {
      %parallel_loop3A_524 = arith.index_cast %parallel_loop3A_523 : i32 to index
      %parallel_loop3A_525 = tpu.vector_load %arg6[%parallel_loop3A_524] {strides = array<i32>} : memref<9216xi32, #tpu.memory_space<vmem>>, vector<16xi32>,
      %parallel_loop3A_526 = arith.constant 7 : i32
      %parallel_loop3A_527 = vector.broadcast %parallel_loop3A_526 : i32 to vector<16xi32>
      %parallel_loop3A_528 = arith.shrui %parallel_loop3A_525, %parallel_loop3A_527 : vector<16xi32>
      %parallel_loop3A_529 = arith.constant 127 : i32
      %parallel_loop3A_530 = vector.broadcast %parallel_loop3A_529 : i32 to vector<16xi32>
      %parallel_loop3A_531 = arith.andi %parallel_loop3A_525, %parallel_loop3A_530 : vector<16xi32>
      %parallel_loop3A_532 = tpu.vector_load_idx %arg5[%parallel_loop3A_528, %parallel_loop3A_531] : memref<512x100xf32, #tpu.memory_space<vmem>>[vector<16xi32>, vector<16xi32>], vector<16xf32>,
      %parallel_loop3A_533 = arith.index_cast %parallel_loop3A_523 : i32 to index
      %parallel_loop3A_534 = tpu.vector_load %arg7[%parallel_loop3A_533] {strides = array<i32>} : memref<9216xf32, #tpu.memory_space<vmem>>, vector<16xf32>,
      tpu.vector_store %arg7[%parallel_loop3A_533], %parallel_loop3A_532 {strides = array<i32>} : memref<9216xf32, #tpu.memory_space<vmem>>, vector<16xf32>,
    } {sc.loop_unroll_factor = 8 : i64, sc.parallel_access}
    %add3A_11 = arith.constant 0 : i32
    %add3A_12 = arith.addi %add3A_11, %add3A : i32
    %mul3A_13 = arith.constant 288 : i32
    %mul3A_14 = arith.muli %add3A_12, %mul3A_13 : i32
    %dma_start3A_15 = arith.constant 0 : i32
    %dma_start3A_16 = tpu.memref_slice %arg7[%dma_start3A_15] : memref<9216xf32, #tpu.memory_space<vmem>> -> memref<288xf32, #tpu.memory_space<vmem>>
    %dma_start3A_17 = tpu.memref_slice %arg4[%mul3A_14] : memref<294912xf32, #tpu.memory_space<hbm>> -> memref<288xf32, #tpu.memory_space<hbm>>
    %dma_start3A_18 = tpu.memref_slice %arg4[%mul3A_14] : memref<294912xf32, #tpu.memory_space<hbm>> -> memref<288xf32, #tpu.memory_space<hbm>>
    %dma_start3A_19 = arith.constant 0 : i32
    %dma_start3A_20 = tpu.memref_slice %arg7[%dma_start3A_19] : memref<9216xf32, #tpu.memory_space<vmem>> -> memref<288xf32, #tpu.memory_space<vmem>>
    tpu.enqueue_dma source(%dma_start3A_20 : memref<288xf32, #tpu.memory_space<vmem>>) target(%dma_start3A_18 : memref<288xf32, #tpu.memory_space<hbm>>) target_semaphore(%arg8 : memref<!tpu.dma_semaphore, #tpu.memory_space<semaphore_mem>>)
    %add3A_21 = arith.constant 32 : i32
    %add3A_22 = arith.addi %add3A_21, %add3A : i32
    %mul3A_23 = arith.constant 288 : i32
    %mul3A_24 = arith.muli %add3A_22, %mul3A_23 : i32
    %dma_start3A_25 = arith.constant 288 : i32
    %dma_start3A_26 = tpu.memref_slice %arg7[%dma_start3A_25] : memref<9216xf32, #tpu.memory_space<vmem>> -> memref<288xf32, #tpu.memory_space<vmem>>
    %dma_start3A_27 = tpu.memref_slice %arg4[%mul3A_24] : memref<294912xf32, #tpu.memory_space<hbm>> -> memref<288xf32, #tpu.memory_space<hbm>>
    %dma_start3A_28 = tpu.memref_slice %arg4[%mul3A_24] : memref<294912xf32, #tpu.memory_space<hbm>> -> memref<288xf32, #tpu.memory_space<hbm>>
    %dma_start3A_29 = arith.constant 288 : i32
    %dma_start3A_30 = tpu.memref_slice %arg7[%dma_start3A_29] : memref<9216xf32, #tpu.memory_space<vmem>> -> memref<288xf32, #tpu.memory_space<vmem>>
    tpu.enqueue_dma source(%dma_start3A_30 : memref<288xf32, #tpu.memory_space<vmem>>) target(%dma_start3A_28 : memref<288xf32, #tpu.memory_space<hbm>>) target_semaphore(%arg8 : memref<!tpu.dma_semaphore, #tpu.memory_space<semaphore_mem>>)
    %add3A_31 = arith.constant 64 : i32
    %add3A_32 = arith.addi %add3A_31, %add3A : i32
    %mul3A_33 = arith.constant 288 : i32
    %mul3A_34 = arith.muli %add3A_32, %mul3A_33 : i32
    %dma_start3A_35 = arith.constant 576 : i32
    %dma_start3A_36 = tpu.memref_slice %arg7[%dma_start3A_35] : memref<9216xf32, #tpu.memory_space<vmem>> -> memref<288xf32, #tpu.memory_space<vmem>>
    %dma_start3A_37 = tpu.memref_slice %arg4[%mul3A_34] : memref<294912xf32, #tpu.memory_space<hbm>> -> memref<288xf32, #tpu.memory_space<hbm>>
    %dma_start3A_38 = tpu.memref_slice %arg4[%mul3A_34] : memref<294912xf32, #tpu.memory_space<hbm>> -> memref<288xf32, #tpu.memory_space<hbm>>
    %dma_start3A_39 = arith.constant 576 : i32
    %dma_start3A_40 = tpu.memref_slice %arg7[%dma_start3A_39] : memref<9216xf32, #tpu.memory_space<vmem>> -> memref<288xf32, #tpu.memory_space<vmem>>
    tpu.enqueue_dma source(%dma_start3A_40 : memref<288xf32, #tpu.memory_space<vmem>>) target(%dma_start3A_38 : memref<288xf32, #tpu.memory_space<hbm>>) target_semaphore(%arg8 : memref<!tpu.dma_semaphore, #tpu.memory_space<semaphore_mem>>)
    %add3A_41 = arith.constant 96 : i32
    %add3A_42 = arith.addi %add3A_41, %add3A : i32
    %mul3A_43 = arith.constant 288 : i32
    %mul3A_44 = arith.muli %add3A_42, %mul3A_43 : i32
    %dma_start3A_45 = arith.constant 864 : i32
    %dma_start3A_46 = tpu.memref_slice %arg7[%dma_start3A_45] : memref<9216xf32, #tpu.memory_space<vmem>> -> memref<288xf32, #tpu.memory_space<vmem>>
    %dma_start3A_47 = tpu.memref_slice %arg4[%mul3A_44] : memref<294912xf32, #tpu.memory_space<hbm>> -> memref<288xf32, #tpu.memory_space<hbm>>
    %dma_start3A_48 = tpu.memref_slice %arg4[%mul3A_44] : memref<294912xf32, #tpu.memory_space<hbm>> -> memref<288xf32, #tpu.memory_space<hbm>>
    %dma_start3A_49 = arith.constant 864 : i32
    %dma_start3A_50 = tpu.memref_slice %arg7[%dma_start3A_49] : memref<9216xf32, #tpu.memory_space<vmem>> -> memref<288xf32, #tpu.memory_space<vmem>>
    tpu.enqueue_dma source(%dma_start3A_50 : memref<288xf32, #tpu.memory_space<vmem>>) target(%dma_start3A_48 : memref<288xf32, #tpu.memory_space<hbm>>) target_semaphore(%arg8 : memref<!tpu.dma_semaphore, #tpu.memory_space<semaphore_mem>>)
    %add3A_51 = arith.constant 128 : i32
    %add3A_52 = arith.addi %add3A_51, %add3A : i32
    %mul3A_53 = arith.constant 288 : i32
    %mul3A_54 = arith.muli %add3A_52, %mul3A_53 : i32
    %dma_start3A_55 = arith.constant 1152 : i32
    %dma_start3A_56 = tpu.memref_slice %arg7[%dma_start3A_55] : memref<9216xf32, #tpu.memory_space<vmem>> -> memref<288xf32, #tpu.memory_space<vmem>>
    %dma_start3A_57 = tpu.memref_slice %arg4[%mul3A_54] : memref<294912xf32, #tpu.memory_space<hbm>> -> memref<288xf32, #tpu.memory_space<hbm>>
    %dma_start3A_58 = tpu.memref_slice %arg4[%mul3A_54] : memref<294912xf32, #tpu.memory_space<hbm>> -> memref<288xf32, #tpu.memory_space<hbm>>
    %dma_start3A_59 = arith.constant 1152 : i32
    %dma_start3A_60 = tpu.memref_slice %arg7[%dma_start3A_59] : memref<9216xf32, #tpu.memory_space<vmem>> -> memref<288xf32, #tpu.memory_space<vmem>>
    tpu.enqueue_dma source(%dma_start3A_60 : memref<288xf32, #tpu.memory_space<vmem>>) target(%dma_start3A_58 : memref<288xf32, #tpu.memory_space<hbm>>) target_semaphore(%arg8 : memref<!tpu.dma_semaphore, #tpu.memory_space<semaphore_mem>>)
    %add3A_61 = arith.constant 160 : i32
    %add3A_62 = arith.addi %add3A_61, %add3A : i32
    %mul3A_63 = arith.constant 288 : i32
    %mul3A_64 = arith.muli %add3A_62, %mul3A_63 : i32
    %dma_start3A_65 = arith.constant 1440 : i32
    %dma_start3A_66 = tpu.memref_slice %arg7[%dma_start3A_65] : memref<9216xf32, #tpu.memory_space<vmem>> -> memref<288xf32, #tpu.memory_space<vmem>>
    %dma_start3A_67 = tpu.memref_slice %arg4[%mul3A_64] : memref<294912xf32, #tpu.memory_space<hbm>> -> memref<288xf32, #tpu.memory_space<hbm>>
    %dma_start3A_68 = tpu.memref_slice %arg4[%mul3A_64] : memref<294912xf32, #tpu.memory_space<hbm>> -> memref<288xf32, #tpu.memory_space<hbm>>
    %dma_start3A_69 = arith.constant 1440 : i32
    %dma_start3A_70 = tpu.memref_slice %arg7[%dma_start3A_69] : memref<9216xf32, #tpu.memory_space<vmem>> -> memref<288xf32, #tpu.memory_space<vmem>>
    tpu.enqueue_dma source(%dma_start3A_70 : memref<288xf32, #tpu.memory_space<vmem>>) target(%dma_start3A_68 : memref<288xf32, #tpu.memory_space<hbm>>) target_semaphore(%arg8 : memref<!tpu.dma_semaphore, #tpu.memory_space<semaphore_mem>>)
    %add3A_71 = arith.constant 192 : i32
    %add3A_72 = arith.addi %add3A_71, %add3A : i32
    %mul3A_73 = arith.constant 288 : i32
    %mul3A_74 = arith.muli %add3A_72, %mul3A_73 : i32
    %dma_start3A_75 = arith.constant 1728 : i32
    %dma_start3A_76 = tpu.memref_slice %arg7[%dma_start3A_75] : memref<9216xf32, #tpu.memory_space<vmem>> -> memref<288xf32, #tpu.memory_space<vmem>>
    %dma_start3A_77 = tpu.memref_slice %arg4[%mul3A_74] : memref<294912xf32, #tpu.memory_space<hbm>> -> memref<288xf32, #tpu.memory_space<hbm>>
    %dma_start3A_78 = tpu.memref_slice %arg4[%mul3A_74] : memref<294912xf32, #tpu.memory_space<hbm>> -> memref<288xf32, #tpu.memory_space<hbm>>
    %dma_start3A_79 = arith.constant 1728 : i32
    %dma_start3A_80 = tpu.memref_slice %arg7[%dma_start3A_79] : memref<9216xf32, #tpu.memory_space<vmem>> -> memref<288xf32, #tpu.memory_space<vmem>>
    tpu.enqueue_dma source(%dma_start3A_80 : memref<288xf32, #tpu.memory_space<vmem>>) target(%dma_start3A_78 : memref<288xf32, #tpu.memory_space<hbm>>) target_semaphore(%arg8 : memref<!tpu.dma_semaphore, #tpu.memory_space<semaphore_mem>>)
    %add3A_81 = arith.constant 224 : i32
    %add3A_82 = arith.addi %add3A_81, %add3A : i32
    %mul3A_83 = arith.constant 288 : i32
    %mul3A_84 = arith.muli %add3A_82, %mul3A_83 : i32
    %dma_start3A_85 = arith.constant 2016 : i32
    %dma_start3A_86 = tpu.memref_slice %arg7[%dma_start3A_85] : memref<9216xf32, #tpu.memory_space<vmem>> -> memref<288xf32, #tpu.memory_space<vmem>>
    %dma_start3A_87 = tpu.memref_slice %arg4[%mul3A_84] : memref<294912xf32, #tpu.memory_space<hbm>> -> memref<288xf32, #tpu.memory_space<hbm>>
    %dma_start3A_88 = tpu.memref_slice %arg4[%mul3A_84] : memref<294912xf32, #tpu.memory_space<hbm>> -> memref<288xf32, #tpu.memory_space<hbm>>
    %dma_start3A_89 = arith.constant 2016 : i32
    %dma_start3A_90 = tpu.memref_slice %arg7[%dma_start3A_89] : memref<9216xf32, #tpu.memory_space<vmem>> -> memref<288xf32, #tpu.memory_space<vmem>>
    tpu.enqueue_dma source(%dma_start3A_90 : memref<288xf32, #tpu.memory_space<vmem>>) target(%dma_start3A_88 : memref<288xf32, #tpu.memory_space<hbm>>) target_semaphore(%arg8 : memref<!tpu.dma_semaphore, #tpu.memory_space<semaphore_mem>>)
    %add3A_91 = arith.constant 256 : i32
    %add3A_92 = arith.addi %add3A_91, %add3A : i32
    %mul3A_93 = arith.constant 288 : i32
    %mul3A_94 = arith.muli %add3A_92, %mul3A_93 : i32
    %dma_start3A_95 = arith.constant 2304 : i32
    %dma_start3A_96 = tpu.memref_slice %arg7[%dma_start3A_95] : memref<9216xf32, #tpu.memory_space<vmem>> -> memref<288xf32, #tpu.memory_space<vmem>>
    %dma_start3A_97 = tpu.memref_slice %arg4[%mul3A_94] : memref<294912xf32, #tpu.memory_space<hbm>> -> memref<288xf32, #tpu.memory_space<hbm>>
    %dma_start3A_98 = tpu.memref_slice %arg4[%mul3A_94] : memref<294912xf32, #tpu.memory_space<hbm>> -> memref<288xf32, #tpu.memory_space<hbm>>
    %dma_start3A_99 = arith.constant 2304 : i32
    %dma_start3A_100 = tpu.memref_slice %arg7[%dma_start3A_99] : memref<9216xf32, #tpu.memory_space<vmem>> -> memref<288xf32, #tpu.memory_space<vmem>>
    tpu.enqueue_dma source(%dma_start3A_100 : memref<288xf32, #tpu.memory_space<vmem>>) target(%dma_start3A_98 : memref<288xf32, #tpu.memory_space<hbm>>) target_semaphore(%arg8 : memref<!tpu.dma_semaphore, #tpu.memory_space<semaphore_mem>>)
    %add3A_101 = arith.constant 288 : i32
    %add3A_102 = arith.addi %add3A_101, %add3A : i32
    %mul3A_103 = arith.constant 288 : i32
    %mul3A_104 = arith.muli %add3A_102, %mul3A_103 : i32
    %dma_start3A_105 = arith.constant 2592 : i32
    %dma_start3A_106 = tpu.memref_slice %arg7[%dma_start3A_105] : memref<9216xf32, #tpu.memory_space<vmem>> -> memref<288xf32, #tpu.memory_space<vmem>>
    %dma_start3A_107 = tpu.memref_slice %arg4[%mul3A_104] : memref<294912xf32, #tpu.memory_space<hbm>> -> memref<288xf32, #tpu.memory_space<hbm>>
    %dma_start3A_108 = tpu.memref_slice %arg4[%mul3A_104] : memref<294912xf32, #tpu.memory_space<hbm>> -> memref<288xf32, #tpu.memory_space<hbm>>
    %dma_start3A_109 = arith.constant 2592 : i32
    %dma_start3A_110 = tpu.memref_slice %arg7[%dma_start3A_109] : memref<9216xf32, #tpu.memory_space<vmem>> -> memref<288xf32, #tpu.memory_space<vmem>>
    tpu.enqueue_dma source(%dma_start3A_110 : memref<288xf32, #tpu.memory_space<vmem>>) target(%dma_start3A_108 : memref<288xf32, #tpu.memory_space<hbm>>) target_semaphore(%arg8 : memref<!tpu.dma_semaphore, #tpu.memory_space<semaphore_mem>>)
    %add3A_111 = arith.constant 320 : i32
    %add3A_112 = arith.addi %add3A_111, %add3A : i32
    %mul3A_113 = arith.constant 288 : i32
    %mul3A_114 = arith.muli %add3A_112, %mul3A_113 : i32
    %dma_start3A_115 = arith.constant 2880 : i32
    %dma_start3A_116 = tpu.memref_slice %arg7[%dma_start3A_115] : memref<9216xf32, #tpu.memory_space<vmem>> -> memref<288xf32, #tpu.memory_space<vmem>>
    %dma_start3A_117 = tpu.memref_slice %arg4[%mul3A_114] : memref<294912xf32, #tpu.memory_space<hbm>> -> memref<288xf32, #tpu.memory_space<hbm>>
    %dma_start3A_118 = tpu.memref_slice %arg4[%mul3A_114] : memref<294912xf32, #tpu.memory_space<hbm>> -> memref<288xf32, #tpu.memory_space<hbm>>
    %dma_start3A_119 = arith.constant 2880 : i32
    %dma_start3A_120 = tpu.memref_slice %arg7[%dma_start3A_119] : memref<9216xf32, #tpu.memory_space<vmem>> -> memref<288xf32, #tpu.memory_space<vmem>>
    tpu.enqueue_dma source(%dma_start3A_120 : memref<288xf32, #tpu.memory_space<vmem>>) target(%dma_start3A_118 : memref<288xf32, #tpu.memory_space<hbm>>) target_semaphore(%arg8 : memref<!tpu.dma_semaphore, #tpu.memory_space<semaphore_mem>>)
    %add3A_121 = arith.constant 352 : i32
    %add3A_122 = arith.addi %add3A_121, %add3A : i32
    %mul3A_123 = arith.constant 288 : i32
    %mul3A_124 = arith.muli %add3A_122, %mul3A_123 : i32
    %dma_start3A_125 = arith.constant 3168 : i32
    %dma_start3A_126 = tpu.memref_slice %arg7[%dma_start3A_125] : memref<9216xf32, #tpu.memory_space<vmem>> -> memref<288xf32, #tpu.memory_space<vmem>>
    %dma_start3A_127 = tpu.memref_slice %arg4[%mul3A_124] : memref<294912xf32, #tpu.memory_space<hbm>> -> memref<288xf32, #tpu.memory_space<hbm>>
    %dma_start3A_128 = tpu.memref_slice %arg4[%mul3A_124] : memref<294912xf32, #tpu.memory_space<hbm>> -> memref<288xf32, #tpu.memory_space<hbm>>
    %dma_start3A_129 = arith.constant 3168 : i32
    %dma_start3A_130 = tpu.memref_slice %arg7[%dma_start3A_129] : memref<9216xf32, #tpu.memory_space<vmem>> -> memref<288xf32, #tpu.memory_space<vmem>>
    tpu.enqueue_dma source(%dma_start3A_130 : memref<288xf32, #tpu.memory_space<vmem>>) target(%dma_start3A_128 : memref<288xf32, #tpu.memory_space<hbm>>) target_semaphore(%arg8 : memref<!tpu.dma_semaphore, #tpu.memory_space<semaphore_mem>>)
    %add3A_131 = arith.constant 384 : i32
    %add3A_132 = arith.addi %add3A_131, %add3A : i32
    %mul3A_133 = arith.constant 288 : i32
    %mul3A_134 = arith.muli %add3A_132, %mul3A_133 : i32
    %dma_start3A_135 = arith.constant 3456 : i32
    %dma_start3A_136 = tpu.memref_slice %arg7[%dma_start3A_135] : memref<9216xf32, #tpu.memory_space<vmem>> -> memref<288xf32, #tpu.memory_space<vmem>>
    %dma_start3A_137 = tpu.memref_slice %arg4[%mul3A_134] : memref<294912xf32, #tpu.memory_space<hbm>> -> memref<288xf32, #tpu.memory_space<hbm>>
    %dma_start3A_138 = tpu.memref_slice %arg4[%mul3A_134] : memref<294912xf32, #tpu.memory_space<hbm>> -> memref<288xf32, #tpu.memory_space<hbm>>
    %dma_start3A_139 = arith.constant 3456 : i32
    %dma_start3A_140 = tpu.memref_slice %arg7[%dma_start3A_139] : memref<9216xf32, #tpu.memory_space<vmem>> -> memref<288xf32, #tpu.memory_space<vmem>>
    tpu.enqueue_dma source(%dma_start3A_140 : memref<288xf32, #tpu.memory_space<vmem>>) target(%dma_start3A_138 : memref<288xf32, #tpu.memory_space<hbm>>) target_semaphore(%arg8 : memref<!tpu.dma_semaphore, #tpu.memory_space<semaphore_mem>>)
    %add3A_141 = arith.constant 416 : i32
    %add3A_142 = arith.addi %add3A_141, %add3A : i32
    %mul3A_143 = arith.constant 288 : i32
    %mul3A_144 = arith.muli %add3A_142, %mul3A_143 : i32
    %dma_start3A_145 = arith.constant 3744 : i32
    %dma_start3A_146 = tpu.memref_slice %arg7[%dma_start3A_145] : memref<9216xf32, #tpu.memory_space<vmem>> -> memref<288xf32, #tpu.memory_space<vmem>>
    %dma_start3A_147 = tpu.memref_slice %arg4[%mul3A_144] : memref<294912xf32, #tpu.memory_space<hbm>> -> memref<288xf32, #tpu.memory_space<hbm>>
    %dma_start3A_148 = tpu.memref_slice %arg4[%mul3A_144] : memref<294912xf32, #tpu.memory_space<hbm>> -> memref<288xf32, #tpu.memory_space<hbm>>
    %dma_start3A_149 = arith.constant 3744 : i32
    %dma_start3A_150 = tpu.memref_slice %arg7[%dma_start3A_149] : memref<9216xf32, #tpu.memory_space<vmem>> -> memref<288xf32, #tpu.memory_space<vmem>>
    tpu.enqueue_dma source(%dma_start3A_150 : memref<288xf32, #tpu.memory_space<vmem>>) target(%dma_start3A_148 : memref<288xf32, #tpu.memory_space<hbm>>) target_semaphore(%arg8 : memref<!tpu.dma_semaphore, #tpu.memory_space<semaphore_mem>>)
    %add3A_151 = arith.constant 448 : i32
    %add3A_152 = arith.addi %add3A_151, %add3A : i32
    %mul3A_153 = arith.constant 288 : i32
    %mul3A_154 = arith.muli %add3A_152, %mul3A_153 : i32
    %dma_start3A_155 = arith.constant 4032 : i32
    %dma_start3A_156 = tpu.memref_slice %arg7[%dma_start3A_155] : memref<9216xf32, #tpu.memory_space<vmem>> -> memref<288xf32, #tpu.memory_space<vmem>>
    %dma_start3A_157 = tpu.memref_slice %arg4[%mul3A_154] : memref<294912xf32, #tpu.memory_space<hbm>> -> memref<288xf32, #tpu.memory_space<hbm>>
    %dma_start3A_158 = tpu.memref_slice %arg4[%mul3A_154] : memref<294912xf32, #tpu.memory_space<hbm>> -> memref<288xf32, #tpu.memory_space<hbm>>
    %dma_start3A_159 = arith.constant 4032 : i32
    %dma_start3A_160 = tpu.memref_slice %arg7[%dma_start3A_159] : memref<9216xf32, #tpu.memory_space<vmem>> -> memref<288xf32, #tpu.memory_space<vmem>>
    tpu.enqueue_dma source(%dma_start3A_160 : memref<288xf32, #tpu.memory_space<vmem>>) target(%dma_start3A_158 : memref<288xf32, #tpu.memory_space<hbm>>) target_semaphore(%arg8 : memref<!tpu.dma_semaphore, #tpu.memory_space<semaphore_mem>>)
    %add3A_161 = arith.constant 480 : i32
    %add3A_162 = arith.addi %add3A_161, %add3A : i32
    %mul3A_163 = arith.constant 288 : i32
    %mul3A_164 = arith.muli %add3A_162, %mul3A_163 : i32
    %dma_start3A_165 = arith.constant 4320 : i32
    %dma_start3A_166 = tpu.memref_slice %arg7[%dma_start3A_165] : memref<9216xf32, #tpu.memory_space<vmem>> -> memref<288xf32, #tpu.memory_space<vmem>>
    %dma_start3A_167 = tpu.memref_slice %arg4[%mul3A_164] : memref<294912xf32, #tpu.memory_space<hbm>> -> memref<288xf32, #tpu.memory_space<hbm>>
    %dma_start3A_168 = tpu.memref_slice %arg4[%mul3A_164] : memref<294912xf32, #tpu.memory_space<hbm>> -> memref<288xf32, #tpu.memory_space<hbm>>
    %dma_start3A_169 = arith.constant 4320 : i32
    %dma_start3A_170 = tpu.memref_slice %arg7[%dma_start3A_169] : memref<9216xf32, #tpu.memory_space<vmem>> -> memref<288xf32, #tpu.memory_space<vmem>>
    tpu.enqueue_dma source(%dma_start3A_170 : memref<288xf32, #tpu.memory_space<vmem>>) target(%dma_start3A_168 : memref<288xf32, #tpu.memory_space<hbm>>) target_semaphore(%arg8 : memref<!tpu.dma_semaphore, #tpu.memory_space<semaphore_mem>>)
    %add3A_171 = arith.constant 512 : i32
    %add3A_172 = arith.addi %add3A_171, %add3A : i32
    %mul3A_173 = arith.constant 288 : i32
    %mul3A_174 = arith.muli %add3A_172, %mul3A_173 : i32
    %dma_start3A_175 = arith.constant 4608 : i32
    %dma_start3A_176 = tpu.memref_slice %arg7[%dma_start3A_175] : memref<9216xf32, #tpu.memory_space<vmem>> -> memref<288xf32, #tpu.memory_space<vmem>>
    %dma_start3A_177 = tpu.memref_slice %arg4[%mul3A_174] : memref<294912xf32, #tpu.memory_space<hbm>> -> memref<288xf32, #tpu.memory_space<hbm>>
    %dma_start3A_178 = tpu.memref_slice %arg4[%mul3A_174] : memref<294912xf32, #tpu.memory_space<hbm>> -> memref<288xf32, #tpu.memory_space<hbm>>
    %dma_start3A_179 = arith.constant 4608 : i32
    %dma_start3A_180 = tpu.memref_slice %arg7[%dma_start3A_179] : memref<9216xf32, #tpu.memory_space<vmem>> -> memref<288xf32, #tpu.memory_space<vmem>>
    tpu.enqueue_dma source(%dma_start3A_180 : memref<288xf32, #tpu.memory_space<vmem>>) target(%dma_start3A_178 : memref<288xf32, #tpu.memory_space<hbm>>) target_semaphore(%arg8 : memref<!tpu.dma_semaphore, #tpu.memory_space<semaphore_mem>>)
    %add3A_181 = arith.constant 544 : i32
    %add3A_182 = arith.addi %add3A_181, %add3A : i32
    %mul3A_183 = arith.constant 288 : i32
    %mul3A_184 = arith.muli %add3A_182, %mul3A_183 : i32
    %dma_start3A_185 = arith.constant 4896 : i32
    %dma_start3A_186 = tpu.memref_slice %arg7[%dma_start3A_185] : memref<9216xf32, #tpu.memory_space<vmem>> -> memref<288xf32, #tpu.memory_space<vmem>>
    %dma_start3A_187 = tpu.memref_slice %arg4[%mul3A_184] : memref<294912xf32, #tpu.memory_space<hbm>> -> memref<288xf32, #tpu.memory_space<hbm>>
    %dma_start3A_188 = tpu.memref_slice %arg4[%mul3A_184] : memref<294912xf32, #tpu.memory_space<hbm>> -> memref<288xf32, #tpu.memory_space<hbm>>
    %dma_start3A_189 = arith.constant 4896 : i32
    %dma_start3A_190 = tpu.memref_slice %arg7[%dma_start3A_189] : memref<9216xf32, #tpu.memory_space<vmem>> -> memref<288xf32, #tpu.memory_space<vmem>>
    tpu.enqueue_dma source(%dma_start3A_190 : memref<288xf32, #tpu.memory_space<vmem>>) target(%dma_start3A_188 : memref<288xf32, #tpu.memory_space<hbm>>) target_semaphore(%arg8 : memref<!tpu.dma_semaphore, #tpu.memory_space<semaphore_mem>>)
    %add3A_191 = arith.constant 576 : i32
    %add3A_192 = arith.addi %add3A_191, %add3A : i32
    %mul3A_193 = arith.constant 288 : i32
    %mul3A_194 = arith.muli %add3A_192, %mul3A_193 : i32
    %dma_start3A_195 = arith.constant 5184 : i32
    %dma_start3A_196 = tpu.memref_slice %arg7[%dma_start3A_195] : memref<9216xf32, #tpu.memory_space<vmem>> -> memref<288xf32, #tpu.memory_space<vmem>>
    %dma_start3A_197 = tpu.memref_slice %arg4[%mul3A_194] : memref<294912xf32, #tpu.memory_space<hbm>> -> memref<288xf32, #tpu.memory_space<hbm>>
    %dma_start3A_198 = tpu.memref_slice %arg4[%mul3A_194] : memref<294912xf32, #tpu.memory_space<hbm>> -> memref<288xf32, #tpu.memory_space<hbm>>
    %dma_start3A_199 = arith.constant 5184 : i32
    %dma_start3A_200 = tpu.memref_slice %arg7[%dma_start3A_199] : memref<9216xf32, #tpu.memory_space<vmem>> -> memref<288xf32, #tpu.memory_space<vmem>>
    tpu.enqueue_dma source(%dma_start3A_200 : memref<288xf32, #tpu.memory_space<vmem>>) target(%dma_start3A_198 : memref<288xf32, #tpu.memory_space<hbm>>) target_semaphore(%arg8 : memref<!tpu.dma_semaphore, #tpu.memory_space<semaphore_mem>>)
    %add3A_201 = arith.constant 608 : i32
    %add3A_202 = arith.addi %add3A_201, %add3A : i32
    %mul3A_203 = arith.constant 288 : i32
    %mul3A_204 = arith.muli %add3A_202, %mul3A_203 : i32
    %dma_start3A_205 = arith.constant 5472 : i32
    %dma_start3A_206 = tpu.memref_slice %arg7[%dma_start3A_205] : memref<9216xf32, #tpu.memory_space<vmem>> -> memref<288xf32, #tpu.memory_space<vmem>>
    %dma_start3A_207 = tpu.memref_slice %arg4[%mul3A_204] : memref<294912xf32, #tpu.memory_space<hbm>> -> memref<288xf32, #tpu.memory_space<hbm>>
    %dma_start3A_208 = tpu.memref_slice %arg4[%mul3A_204] : memref<294912xf32, #tpu.memory_space<hbm>> -> memref<288xf32, #tpu.memory_space<hbm>>
    %dma_start3A_209 = arith.constant 5472 : i32
    %dma_start3A_210 = tpu.memref_slice %arg7[%dma_start3A_209] : memref<9216xf32, #tpu.memory_space<vmem>> -> memref<288xf32, #tpu.memory_space<vmem>>
    tpu.enqueue_dma source(%dma_start3A_210 : memref<288xf32, #tpu.memory_space<vmem>>) target(%dma_start3A_208 : memref<288xf32, #tpu.memory_space<hbm>>) target_semaphore(%arg8 : memref<!tpu.dma_semaphore, #tpu.memory_space<semaphore_mem>>)
    %add3A_211 = arith.constant 640 : i32
    %add3A_212 = arith.addi %add3A_211, %add3A : i32
    %mul3A_213 = arith.constant 288 : i32
    %mul3A_214 = arith.muli %add3A_212, %mul3A_213 : i32
    %dma_start3A_215 = arith.constant 5760 : i32
    %dma_start3A_216 = tpu.memref_slice %arg7[%dma_start3A_215] : memref<9216xf32, #tpu.memory_space<vmem>> -> memref<288xf32, #tpu.memory_space<vmem>>
    %dma_start3A_217 = tpu.memref_slice %arg4[%mul3A_214] : memref<294912xf32, #tpu.memory_space<hbm>> -> memref<288xf32, #tpu.memory_space<hbm>>
    %dma_start3A_218 = tpu.memref_slice %arg4[%mul3A_214] : memref<294912xf32, #tpu.memory_space<hbm>> -> memref<288xf32, #tpu.memory_space<hbm>>
    %dma_start3A_219 = arith.constant 5760 : i32
    %dma_start3A_220 = tpu.memref_slice %arg7[%dma_start3A_219] : memref<9216xf32, #tpu.memory_space<vmem>> -> memref<288xf32, #tpu.memory_space<vmem>>
    tpu.enqueue_dma source(%dma_start3A_220 : memref<288xf32, #tpu.memory_space<vmem>>) target(%dma_start3A_218 : memref<288xf32, #tpu.memory_space<hbm>>) target_semaphore(%arg8 : memref<!tpu.dma_semaphore, #tpu.memory_space<semaphore_mem>>)
    %add3A_221 = arith.constant 672 : i32
    %add3A_222 = arith.addi %add3A_221, %add3A : i32
    %mul3A_223 = arith.constant 288 : i32
    %mul3A_224 = arith.muli %add3A_222, %mul3A_223 : i32
    %dma_start3A_225 = arith.constant 6048 : i32
    %dma_start3A_226 = tpu.memref_slice %arg7[%dma_start3A_225] : memref<9216xf32, #tpu.memory_space<vmem>> -> memref<288xf32, #tpu.memory_space<vmem>>
    %dma_start3A_227 = tpu.memref_slice %arg4[%mul3A_224] : memref<294912xf32, #tpu.memory_space<hbm>> -> memref<288xf32, #tpu.memory_space<hbm>>
    %dma_start3A_228 = tpu.memref_slice %arg4[%mul3A_224] : memref<294912xf32, #tpu.memory_space<hbm>> -> memref<288xf32, #tpu.memory_space<hbm>>
    %dma_start3A_229 = arith.constant 6048 : i32
    %dma_start3A_230 = tpu.memref_slice %arg7[%dma_start3A_229] : memref<9216xf32, #tpu.memory_space<vmem>> -> memref<288xf32, #tpu.memory_space<vmem>>
    tpu.enqueue_dma source(%dma_start3A_230 : memref<288xf32, #tpu.memory_space<vmem>>) target(%dma_start3A_228 : memref<288xf32, #tpu.memory_space<hbm>>) target_semaphore(%arg8 : memref<!tpu.dma_semaphore, #tpu.memory_space<semaphore_mem>>)
    %add3A_231 = arith.constant 704 : i32
    %add3A_232 = arith.addi %add3A_231, %add3A : i32
    %mul3A_233 = arith.constant 288 : i32
    %mul3A_234 = arith.muli %add3A_232, %mul3A_233 : i32
    %dma_start3A_235 = arith.constant 6336 : i32
    %dma_start3A_236 = tpu.memref_slice %arg7[%dma_start3A_235] : memref<9216xf32, #tpu.memory_space<vmem>> -> memref<288xf32, #tpu.memory_space<vmem>>
    %dma_start3A_237 = tpu.memref_slice %arg4[%mul3A_234] : memref<294912xf32, #tpu.memory_space<hbm>> -> memref<288xf32, #tpu.memory_space<hbm>>
    %dma_start3A_238 = tpu.memref_slice %arg4[%mul3A_234] : memref<294912xf32, #tpu.memory_space<hbm>> -> memref<288xf32, #tpu.memory_space<hbm>>
    %dma_start3A_239 = arith.constant 6336 : i32
    %dma_start3A_240 = tpu.memref_slice %arg7[%dma_start3A_239] : memref<9216xf32, #tpu.memory_space<vmem>> -> memref<288xf32, #tpu.memory_space<vmem>>
    tpu.enqueue_dma source(%dma_start3A_240 : memref<288xf32, #tpu.memory_space<vmem>>) target(%dma_start3A_238 : memref<288xf32, #tpu.memory_space<hbm>>) target_semaphore(%arg8 : memref<!tpu.dma_semaphore, #tpu.memory_space<semaphore_mem>>)
    %add3A_241 = arith.constant 736 : i32
    %add3A_242 = arith.addi %add3A_241, %add3A : i32
    %mul3A_243 = arith.constant 288 : i32
    %mul3A_244 = arith.muli %add3A_242, %mul3A_243 : i32
    %dma_start3A_245 = arith.constant 6624 : i32
    %dma_start3A_246 = tpu.memref_slice %arg7[%dma_start3A_245] : memref<9216xf32, #tpu.memory_space<vmem>> -> memref<288xf32, #tpu.memory_space<vmem>>
    %dma_start3A_247 = tpu.memref_slice %arg4[%mul3A_244] : memref<294912xf32, #tpu.memory_space<hbm>> -> memref<288xf32, #tpu.memory_space<hbm>>
    %dma_start3A_248 = tpu.memref_slice %arg4[%mul3A_244] : memref<294912xf32, #tpu.memory_space<hbm>> -> memref<288xf32, #tpu.memory_space<hbm>>
    %dma_start3A_249 = arith.constant 6624 : i32
    %dma_start3A_250 = tpu.memref_slice %arg7[%dma_start3A_249] : memref<9216xf32, #tpu.memory_space<vmem>> -> memref<288xf32, #tpu.memory_space<vmem>>
    tpu.enqueue_dma source(%dma_start3A_250 : memref<288xf32, #tpu.memory_space<vmem>>) target(%dma_start3A_248 : memref<288xf32, #tpu.memory_space<hbm>>) target_semaphore(%arg8 : memref<!tpu.dma_semaphore, #tpu.memory_space<semaphore_mem>>)
    %add3A_251 = arith.constant 768 : i32
    %add3A_252 = arith.addi %add3A_251, %add3A : i32
    %mul3A_253 = arith.constant 288 : i32
    %mul3A_254 = arith.muli %add3A_252, %mul3A_253 : i32
    %dma_start3A_255 = arith.constant 6912 : i32
    %dma_start3A_256 = tpu.memref_slice %arg7[%dma_start3A_255] : memref<9216xf32, #tpu.memory_space<vmem>> -> memref<288xf32, #tpu.memory_space<vmem>>
    %dma_start3A_257 = tpu.memref_slice %arg4[%mul3A_254] : memref<294912xf32, #tpu.memory_space<hbm>> -> memref<288xf32, #tpu.memory_space<hbm>>
    %dma_start3A_258 = tpu.memref_slice %arg4[%mul3A_254] : memref<294912xf32, #tpu.memory_space<hbm>> -> memref<288xf32, #tpu.memory_space<hbm>>
    %dma_start3A_259 = arith.constant 6912 : i32
    %dma_start3A_260 = tpu.memref_slice %arg7[%dma_start3A_259] : memref<9216xf32, #tpu.memory_space<vmem>> -> memref<288xf32, #tpu.memory_space<vmem>>
    tpu.enqueue_dma source(%dma_start3A_260 : memref<288xf32, #tpu.memory_space<vmem>>) target(%dma_start3A_258 : memref<288xf32, #tpu.memory_space<hbm>>) target_semaphore(%arg8 : memref<!tpu.dma_semaphore, #tpu.memory_space<semaphore_mem>>)
    %add3A_261 = arith.constant 800 : i32
    %add3A_262 = arith.addi %add3A_261, %add3A : i32
    %mul3A_263 = arith.constant 288 : i32
    %mul3A_264 = arith.muli %add3A_262, %mul3A_263 : i32
    %dma_start3A_265 = arith.constant 7200 : i32
    %dma_start3A_266 = tpu.memref_slice %arg7[%dma_start3A_265] : memref<9216xf32, #tpu.memory_space<vmem>> -> memref<288xf32, #tpu.memory_space<vmem>>
    %dma_start3A_267 = tpu.memref_slice %arg4[%mul3A_264] : memref<294912xf32, #tpu.memory_space<hbm>> -> memref<288xf32, #tpu.memory_space<hbm>>
    %dma_start3A_268 = tpu.memref_slice %arg4[%mul3A_264] : memref<294912xf32, #tpu.memory_space<hbm>> -> memref<288xf32, #tpu.memory_space<hbm>>
    %dma_start3A_269 = arith.constant 7200 : i32
    %dma_start3A_270 = tpu.memref_slice %arg7[%dma_start3A_269] : memref<9216xf32, #tpu.memory_space<vmem>> -> memref<288xf32, #tpu.memory_space<vmem>>
    tpu.enqueue_dma source(%dma_start3A_270 : memref<288xf32, #tpu.memory_space<vmem>>) target(%dma_start3A_268 : memref<288xf32, #tpu.memory_space<hbm>>) target_semaphore(%arg8 : memref<!tpu.dma_semaphore, #tpu.memory_space<semaphore_mem>>)
    %add3A_271 = arith.constant 832 : i32
    %add3A_272 = arith.addi %add3A_271, %add3A : i32
    %mul3A_273 = arith.constant 288 : i32
    %mul3A_274 = arith.muli %add3A_272, %mul3A_273 : i32
    %dma_start3A_275 = arith.constant 7488 : i32
    %dma_start3A_276 = tpu.memref_slice %arg7[%dma_start3A_275] : memref<9216xf32, #tpu.memory_space<vmem>> -> memref<288xf32, #tpu.memory_space<vmem>>
    %dma_start3A_277 = tpu.memref_slice %arg4[%mul3A_274] : memref<294912xf32, #tpu.memory_space<hbm>> -> memref<288xf32, #tpu.memory_space<hbm>>
    %dma_start3A_278 = tpu.memref_slice %arg4[%mul3A_274] : memref<294912xf32, #tpu.memory_space<hbm>> -> memref<288xf32, #tpu.memory_space<hbm>>
    %dma_start3A_279 = arith.constant 7488 : i32
    %dma_start3A_280 = tpu.memref_slice %arg7[%dma_start3A_279] : memref<9216xf32, #tpu.memory_space<vmem>> -> memref<288xf32, #tpu.memory_space<vmem>>
    tpu.enqueue_dma source(%dma_start3A_280 : memref<288xf32, #tpu.memory_space<vmem>>) target(%dma_start3A_278 : memref<288xf32, #tpu.memory_space<hbm>>) target_semaphore(%arg8 : memref<!tpu.dma_semaphore, #tpu.memory_space<semaphore_mem>>)
    %add3A_281 = arith.constant 864 : i32
    %add3A_282 = arith.addi %add3A_281, %add3A : i32
    %mul3A_283 = arith.constant 288 : i32
    %mul3A_284 = arith.muli %add3A_282, %mul3A_283 : i32
    %dma_start3A_285 = arith.constant 7776 : i32
    %dma_start3A_286 = tpu.memref_slice %arg7[%dma_start3A_285] : memref<9216xf32, #tpu.memory_space<vmem>> -> memref<288xf32, #tpu.memory_space<vmem>>
    %dma_start3A_287 = tpu.memref_slice %arg4[%mul3A_284] : memref<294912xf32, #tpu.memory_space<hbm>> -> memref<288xf32, #tpu.memory_space<hbm>>
    %dma_start3A_288 = tpu.memref_slice %arg4[%mul3A_284] : memref<294912xf32, #tpu.memory_space<hbm>> -> memref<288xf32, #tpu.memory_space<hbm>>
    %dma_start3A_289 = arith.constant 7776 : i32
    %dma_start3A_290 = tpu.memref_slice %arg7[%dma_start3A_289] : memref<9216xf32, #tpu.memory_space<vmem>> -> memref<288xf32, #tpu.memory_space<vmem>>
    tpu.enqueue_dma source(%dma_start3A_290 : memref<288xf32, #tpu.memory_space<vmem>>) target(%dma_start3A_288 : memref<288xf32, #tpu.memory_space<hbm>>) target_semaphore(%arg8 : memref<!tpu.dma_semaphore, #tpu.memory_space<semaphore_mem>>)
    %add3A_291 = arith.constant 896 : i32
    %add3A_292 = arith.addi %add3A_291, %add3A : i32
    %mul3A_293 = arith.constant 288 : i32
    %mul3A_294 = arith.muli %add3A_292, %mul3A_293 : i32
    %dma_start3A_295 = arith.constant 8064 : i32
    %dma_start3A_296 = tpu.memref_slice %arg7[%dma_start3A_295] : memref<9216xf32, #tpu.memory_space<vmem>> -> memref<288xf32, #tpu.memory_space<vmem>>
    %dma_start3A_297 = tpu.memref_slice %arg4[%mul3A_294] : memref<294912xf32, #tpu.memory_space<hbm>> -> memref<288xf32, #tpu.memory_space<hbm>>
    %dma_start3A_298 = tpu.memref_slice %arg4[%mul3A_294] : memref<294912xf32, #tpu.memory_space<hbm>> -> memref<288xf32, #tpu.memory_space<hbm>>
    %dma_start3A_299 = arith.constant 8064 : i32
    %dma_start3A_300 = tpu.memref_slice %arg7[%dma_start3A_299] : memref<9216xf32, #tpu.memory_space<vmem>> -> memref<288xf32, #tpu.memory_space<vmem>>
    tpu.enqueue_dma source(%dma_start3A_300 : memref<288xf32, #tpu.memory_space<vmem>>) target(%dma_start3A_298 : memref<288xf32, #tpu.memory_space<hbm>>) target_semaphore(%arg8 : memref<!tpu.dma_semaphore, #tpu.memory_space<semaphore_mem>>)
    %add3A_301 = arith.constant 928 : i32
    %add3A_302 = arith.addi %add3A_301, %add3A : i32
    %mul3A_303 = arith.constant 288 : i32
    %mul3A_304 = arith.muli %add3A_302, %mul3A_303 : i32
    %dma_start3A_305 = arith.constant 8352 : i32
    %dma_start3A_306 = tpu.memref_slice %arg7[%dma_start3A_305] : memref<9216xf32, #tpu.memory_space<vmem>> -> memref<288xf32, #tpu.memory_space<vmem>>
    %dma_start3A_307 = tpu.memref_slice %arg4[%mul3A_304] : memref<294912xf32, #tpu.memory_space<hbm>> -> memref<288xf32, #tpu.memory_space<hbm>>
    %dma_start3A_308 = tpu.memref_slice %arg4[%mul3A_304] : memref<294912xf32, #tpu.memory_space<hbm>> -> memref<288xf32, #tpu.memory_space<hbm>>
    %dma_start3A_309 = arith.constant 8352 : i32
    %dma_start3A_310 = tpu.memref_slice %arg7[%dma_start3A_309] : memref<9216xf32, #tpu.memory_space<vmem>> -> memref<288xf32, #tpu.memory_space<vmem>>
    tpu.enqueue_dma source(%dma_start3A_310 : memref<288xf32, #tpu.memory_space<vmem>>) target(%dma_start3A_308 : memref<288xf32, #tpu.memory_space<hbm>>) target_semaphore(%arg8 : memref<!tpu.dma_semaphore, #tpu.memory_space<semaphore_mem>>)
    %add3A_311 = arith.constant 960 : i32
    %add3A_312 = arith.addi %add3A_311, %add3A : i32
    %mul3A_313 = arith.constant 288 : i32
    %mul3A_314 = arith.muli %add3A_312, %mul3A_313 : i32
    %dma_start3A_315 = arith.constant 8640 : i32
    %dma_start3A_316 = tpu.memref_slice %arg7[%dma_start3A_315] : memref<9216xf32, #tpu.memory_space<vmem>> -> memref<288xf32, #tpu.memory_space<vmem>>
    %dma_start3A_317 = tpu.memref_slice %arg4[%mul3A_314] : memref<294912xf32, #tpu.memory_space<hbm>> -> memref<288xf32, #tpu.memory_space<hbm>>
    %dma_start3A_318 = tpu.memref_slice %arg4[%mul3A_314] : memref<294912xf32, #tpu.memory_space<hbm>> -> memref<288xf32, #tpu.memory_space<hbm>>
    %dma_start3A_319 = arith.constant 8640 : i32
    %dma_start3A_320 = tpu.memref_slice %arg7[%dma_start3A_319] : memref<9216xf32, #tpu.memory_space<vmem>> -> memref<288xf32, #tpu.memory_space<vmem>>
    tpu.enqueue_dma source(%dma_start3A_320 : memref<288xf32, #tpu.memory_space<vmem>>) target(%dma_start3A_318 : memref<288xf32, #tpu.memory_space<hbm>>) target_semaphore(%arg8 : memref<!tpu.dma_semaphore, #tpu.memory_space<semaphore_mem>>)
    %add3A_321 = arith.constant 992 : i32
    %add3A_322 = arith.addi %add3A_321, %add3A : i32
    %mul3A_323 = arith.constant 288 : i32
    %mul3A_324 = arith.muli %add3A_322, %mul3A_323 : i32
    %dma_start3A_325 = arith.constant 8928 : i32
    %dma_start3A_326 = tpu.memref_slice %arg7[%dma_start3A_325] : memref<9216xf32, #tpu.memory_space<vmem>> -> memref<288xf32, #tpu.memory_space<vmem>>
    %dma_start3A_327 = tpu.memref_slice %arg4[%mul3A_324] : memref<294912xf32, #tpu.memory_space<hbm>> -> memref<288xf32, #tpu.memory_space<hbm>>
    %dma_start3A_328 = tpu.memref_slice %arg4[%mul3A_324] : memref<294912xf32, #tpu.memory_space<hbm>> -> memref<288xf32, #tpu.memory_space<hbm>>
    %dma_start3A_329 = arith.constant 8928 : i32
    %dma_start3A_330 = tpu.memref_slice %arg7[%dma_start3A_329] : memref<9216xf32, #tpu.memory_space<vmem>> -> memref<288xf32, #tpu.memory_space<vmem>>
    tpu.enqueue_dma source(%dma_start3A_330 : memref<288xf32, #tpu.memory_space<vmem>>) target(%dma_start3A_328 : memref<288xf32, #tpu.memory_space<hbm>>) target_semaphore(%arg8 : memref<!tpu.dma_semaphore, #tpu.memory_space<semaphore_mem>>)
    %dma_wait3A_331 = arith.constant 0 : i32
    %dma_wait3A_332 = tpu.memref_slice %arg7[%dma_wait3A_331] : memref<9216xf32, #tpu.memory_space<vmem>> -> memref<288xf32, #tpu.memory_space<vmem>>
    %dma_wait3A_333 = tpu.memref_slice %arg4[%mul3A_14] : memref<294912xf32, #tpu.memory_space<hbm>> -> memref<288xf32, #tpu.memory_space<hbm>>
    %dma_wait3A_334 = tpu.memref_slice %arg4[%mul3A_14] : memref<294912xf32, #tpu.memory_space<hbm>> -> memref<288xf32, #tpu.memory_space<hbm>>
    %dma_wait3A_335 = arith.constant 0 : i32
    %dma_wait3A_336 = tpu.memref_slice %arg7[%dma_wait3A_335] : memref<9216xf32, #tpu.memory_space<vmem>> -> memref<288xf32, #tpu.memory_space<vmem>>
    tpu.wait_dma2 semaphore(%arg8 : memref<!tpu.dma_semaphore, #tpu.memory_space<semaphore_mem>>) src(%dma_wait3A_336 : memref<288xf32, #tpu.memory_space<vmem>>) dst(%dma_wait3A_334 : memref<288xf32, #tpu.memory_space<hbm>>)
    %dma_wait3A_337 = arith.constant 288 : i32
    %dma_wait3A_338 = tpu.memref_slice %arg7[%dma_wait3A_337] : memref<9216xf32, #tpu.memory_space<vmem>> -> memref<288xf32, #tpu.memory_space<vmem>>
    %dma_wait3A_339 = tpu.memref_slice %arg4[%mul3A_24] : memref<294912xf32, #tpu.memory_space<hbm>> -> memref<288xf32, #tpu.memory_space<hbm>>
    %dma_wait3A_340 = tpu.memref_slice %arg4[%mul3A_24] : memref<294912xf32, #tpu.memory_space<hbm>> -> memref<288xf32, #tpu.memory_space<hbm>>
    %dma_wait3A_341 = arith.constant 288 : i32
    %dma_wait3A_342 = tpu.memref_slice %arg7[%dma_wait3A_341] : memref<9216xf32, #tpu.memory_space<vmem>> -> memref<288xf32, #tpu.memory_space<vmem>>
    tpu.wait_dma2 semaphore(%arg8 : memref<!tpu.dma_semaphore, #tpu.memory_space<semaphore_mem>>) src(%dma_wait3A_342 : memref<288xf32, #tpu.memory_space<vmem>>) dst(%dma_wait3A_340 : memref<288xf32, #tpu.memory_space<hbm>>)
    %dma_wait3A_343 = arith.constant 576 : i32
    %dma_wait3A_344 = tpu.memref_slice %arg7[%dma_wait3A_343] : memref<9216xf32, #tpu.memory_space<vmem>> -> memref<288xf32, #tpu.memory_space<vmem>>
    %dma_wait3A_345 = tpu.memref_slice %arg4[%mul3A_34] : memref<294912xf32, #tpu.memory_space<hbm>> -> memref<288xf32, #tpu.memory_space<hbm>>
    %dma_wait3A_346 = tpu.memref_slice %arg4[%mul3A_34] : memref<294912xf32, #tpu.memory_space<hbm>> -> memref<288xf32, #tpu.memory_space<hbm>>
    %dma_wait3A_347 = arith.constant 576 : i32
    %dma_wait3A_348 = tpu.memref_slice %arg7[%dma_wait3A_347] : memref<9216xf32, #tpu.memory_space<vmem>> -> memref<288xf32, #tpu.memory_space<vmem>>
    tpu.wait_dma2 semaphore(%arg8 : memref<!tpu.dma_semaphore, #tpu.memory_space<semaphore_mem>>) src(%dma_wait3A_348 : memref<288xf32, #tpu.memory_space<vmem>>) dst(%dma_wait3A_346 : memref<288xf32, #tpu.memory_space<hbm>>)
    %dma_wait3A_349 = arith.constant 864 : i32
    %dma_wait3A_350 = tpu.memref_slice %arg7[%dma_wait3A_349] : memref<9216xf32, #tpu.memory_space<vmem>> -> memref<288xf32, #tpu.memory_space<vmem>>
    %dma_wait3A_351 = tpu.memref_slice %arg4[%mul3A_44] : memref<294912xf32, #tpu.memory_space<hbm>> -> memref<288xf32, #tpu.memory_space<hbm>>
    %dma_wait3A_352 = tpu.memref_slice %arg4[%mul3A_44] : memref<294912xf32, #tpu.memory_space<hbm>> -> memref<288xf32, #tpu.memory_space<hbm>>
    %dma_wait3A_353 = arith.constant 864 : i32
    %dma_wait3A_354 = tpu.memref_slice %arg7[%dma_wait3A_353] : memref<9216xf32, #tpu.memory_space<vmem>> -> memref<288xf32, #tpu.memory_space<vmem>>
    tpu.wait_dma2 semaphore(%arg8 : memref<!tpu.dma_semaphore, #tpu.memory_space<semaphore_mem>>) src(%dma_wait3A_354 : memref<288xf32, #tpu.memory_space<vmem>>) dst(%dma_wait3A_352 : memref<288xf32, #tpu.memory_space<hbm>>)
    %dma_wait3A_355 = arith.constant 1152 : i32
    %dma_wait3A_356 = tpu.memref_slice %arg7[%dma_wait3A_355] : memref<9216xf32, #tpu.memory_space<vmem>> -> memref<288xf32, #tpu.memory_space<vmem>>
    %dma_wait3A_357 = tpu.memref_slice %arg4[%mul3A_54] : memref<294912xf32, #tpu.memory_space<hbm>> -> memref<288xf32, #tpu.memory_space<hbm>>
    %dma_wait3A_358 = tpu.memref_slice %arg4[%mul3A_54] : memref<294912xf32, #tpu.memory_space<hbm>> -> memref<288xf32, #tpu.memory_space<hbm>>
    %dma_wait3A_359 = arith.constant 1152 : i32
    %dma_wait3A_360 = tpu.memref_slice %arg7[%dma_wait3A_359] : memref<9216xf32, #tpu.memory_space<vmem>> -> memref<288xf32, #tpu.memory_space<vmem>>
    tpu.wait_dma2 semaphore(%arg8 : memref<!tpu.dma_semaphore, #tpu.memory_space<semaphore_mem>>) src(%dma_wait3A_360 : memref<288xf32, #tpu.memory_space<vmem>>) dst(%dma_wait3A_358 : memref<288xf32, #tpu.memory_space<hbm>>)
    %dma_wait3A_361 = arith.constant 1440 : i32
    %dma_wait3A_362 = tpu.memref_slice %arg7[%dma_wait3A_361] : memref<9216xf32, #tpu.memory_space<vmem>> -> memref<288xf32, #tpu.memory_space<vmem>>
    %dma_wait3A_363 = tpu.memref_slice %arg4[%mul3A_64] : memref<294912xf32, #tpu.memory_space<hbm>> -> memref<288xf32, #tpu.memory_space<hbm>>
    %dma_wait3A_364 = tpu.memref_slice %arg4[%mul3A_64] : memref<294912xf32, #tpu.memory_space<hbm>> -> memref<288xf32, #tpu.memory_space<hbm>>
    %dma_wait3A_365 = arith.constant 1440 : i32
    %dma_wait3A_366 = tpu.memref_slice %arg7[%dma_wait3A_365] : memref<9216xf32, #tpu.memory_space<vmem>> -> memref<288xf32, #tpu.memory_space<vmem>>
    tpu.wait_dma2 semaphore(%arg8 : memref<!tpu.dma_semaphore, #tpu.memory_space<semaphore_mem>>) src(%dma_wait3A_366 : memref<288xf32, #tpu.memory_space<vmem>>) dst(%dma_wait3A_364 : memref<288xf32, #tpu.memory_space<hbm>>)
    %dma_wait3A_367 = arith.constant 1728 : i32
    %dma_wait3A_368 = tpu.memref_slice %arg7[%dma_wait3A_367] : memref<9216xf32, #tpu.memory_space<vmem>> -> memref<288xf32, #tpu.memory_space<vmem>>
    %dma_wait3A_369 = tpu.memref_slice %arg4[%mul3A_74] : memref<294912xf32, #tpu.memory_space<hbm>> -> memref<288xf32, #tpu.memory_space<hbm>>
    %dma_wait3A_370 = tpu.memref_slice %arg4[%mul3A_74] : memref<294912xf32, #tpu.memory_space<hbm>> -> memref<288xf32, #tpu.memory_space<hbm>>
    %dma_wait3A_371 = arith.constant 1728 : i32
    %dma_wait3A_372 = tpu.memref_slice %arg7[%dma_wait3A_371] : memref<9216xf32, #tpu.memory_space<vmem>> -> memref<288xf32, #tpu.memory_space<vmem>>
    tpu.wait_dma2 semaphore(%arg8 : memref<!tpu.dma_semaphore, #tpu.memory_space<semaphore_mem>>) src(%dma_wait3A_372 : memref<288xf32, #tpu.memory_space<vmem>>) dst(%dma_wait3A_370 : memref<288xf32, #tpu.memory_space<hbm>>)
    %dma_wait3A_373 = arith.constant 2016 : i32
    %dma_wait3A_374 = tpu.memref_slice %arg7[%dma_wait3A_373] : memref<9216xf32, #tpu.memory_space<vmem>> -> memref<288xf32, #tpu.memory_space<vmem>>
    %dma_wait3A_375 = tpu.memref_slice %arg4[%mul3A_84] : memref<294912xf32, #tpu.memory_space<hbm>> -> memref<288xf32, #tpu.memory_space<hbm>>
    %dma_wait3A_376 = tpu.memref_slice %arg4[%mul3A_84] : memref<294912xf32, #tpu.memory_space<hbm>> -> memref<288xf32, #tpu.memory_space<hbm>>
    %dma_wait3A_377 = arith.constant 2016 : i32
    %dma_wait3A_378 = tpu.memref_slice %arg7[%dma_wait3A_377] : memref<9216xf32, #tpu.memory_space<vmem>> -> memref<288xf32, #tpu.memory_space<vmem>>
    tpu.wait_dma2 semaphore(%arg8 : memref<!tpu.dma_semaphore, #tpu.memory_space<semaphore_mem>>) src(%dma_wait3A_378 : memref<288xf32, #tpu.memory_space<vmem>>) dst(%dma_wait3A_376 : memref<288xf32, #tpu.memory_space<hbm>>)
    %dma_wait3A_379 = arith.constant 2304 : i32
    %dma_wait3A_380 = tpu.memref_slice %arg7[%dma_wait3A_379] : memref<9216xf32, #tpu.memory_space<vmem>> -> memref<288xf32, #tpu.memory_space<vmem>>
    %dma_wait3A_381 = tpu.memref_slice %arg4[%mul3A_94] : memref<294912xf32, #tpu.memory_space<hbm>> -> memref<288xf32, #tpu.memory_space<hbm>>
    %dma_wait3A_382 = tpu.memref_slice %arg4[%mul3A_94] : memref<294912xf32, #tpu.memory_space<hbm>> -> memref<288xf32, #tpu.memory_space<hbm>>
    %dma_wait3A_383 = arith.constant 2304 : i32
    %dma_wait3A_384 = tpu.memref_slice %arg7[%dma_wait3A_383] : memref<9216xf32, #tpu.memory_space<vmem>> -> memref<288xf32, #tpu.memory_space<vmem>>
    tpu.wait_dma2 semaphore(%arg8 : memref<!tpu.dma_semaphore, #tpu.memory_space<semaphore_mem>>) src(%dma_wait3A_384 : memref<288xf32, #tpu.memory_space<vmem>>) dst(%dma_wait3A_382 : memref<288xf32, #tpu.memory_space<hbm>>)
    %dma_wait3A_385 = arith.constant 2592 : i32
    %dma_wait3A_386 = tpu.memref_slice %arg7[%dma_wait3A_385] : memref<9216xf32, #tpu.memory_space<vmem>> -> memref<288xf32, #tpu.memory_space<vmem>>
    %dma_wait3A_387 = tpu.memref_slice %arg4[%mul3A_104] : memref<294912xf32, #tpu.memory_space<hbm>> -> memref<288xf32, #tpu.memory_space<hbm>>
    %dma_wait3A_388 = tpu.memref_slice %arg4[%mul3A_104] : memref<294912xf32, #tpu.memory_space<hbm>> -> memref<288xf32, #tpu.memory_space<hbm>>
    %dma_wait3A_389 = arith.constant 2592 : i32
    %dma_wait3A_390 = tpu.memref_slice %arg7[%dma_wait3A_389] : memref<9216xf32, #tpu.memory_space<vmem>> -> memref<288xf32, #tpu.memory_space<vmem>>
    tpu.wait_dma2 semaphore(%arg8 : memref<!tpu.dma_semaphore, #tpu.memory_space<semaphore_mem>>) src(%dma_wait3A_390 : memref<288xf32, #tpu.memory_space<vmem>>) dst(%dma_wait3A_388 : memref<288xf32, #tpu.memory_space<hbm>>)
    %dma_wait3A_391 = arith.constant 2880 : i32
    %dma_wait3A_392 = tpu.memref_slice %arg7[%dma_wait3A_391] : memref<9216xf32, #tpu.memory_space<vmem>> -> memref<288xf32, #tpu.memory_space<vmem>>
    %dma_wait3A_393 = tpu.memref_slice %arg4[%mul3A_114] : memref<294912xf32, #tpu.memory_space<hbm>> -> memref<288xf32, #tpu.memory_space<hbm>>
    %dma_wait3A_394 = tpu.memref_slice %arg4[%mul3A_114] : memref<294912xf32, #tpu.memory_space<hbm>> -> memref<288xf32, #tpu.memory_space<hbm>>
    %dma_wait3A_395 = arith.constant 2880 : i32
    %dma_wait3A_396 = tpu.memref_slice %arg7[%dma_wait3A_395] : memref<9216xf32, #tpu.memory_space<vmem>> -> memref<288xf32, #tpu.memory_space<vmem>>
    tpu.wait_dma2 semaphore(%arg8 : memref<!tpu.dma_semaphore, #tpu.memory_space<semaphore_mem>>) src(%dma_wait3A_396 : memref<288xf32, #tpu.memory_space<vmem>>) dst(%dma_wait3A_394 : memref<288xf32, #tpu.memory_space<hbm>>)
    %dma_wait3A_397 = arith.constant 3168 : i32
    %dma_wait3A_398 = tpu.memref_slice %arg7[%dma_wait3A_397] : memref<9216xf32, #tpu.memory_space<vmem>> -> memref<288xf32, #tpu.memory_space<vmem>>
    %dma_wait3A_399 = tpu.memref_slice %arg4[%mul3A_124] : memref<294912xf32, #tpu.memory_space<hbm>> -> memref<288xf32, #tpu.memory_space<hbm>>
    %dma_wait3A_400 = tpu.memref_slice %arg4[%mul3A_124] : memref<294912xf32, #tpu.memory_space<hbm>> -> memref<288xf32, #tpu.memory_space<hbm>>
    %dma_wait3A_401 = arith.constant 3168 : i32
    %dma_wait3A_402 = tpu.memref_slice %arg7[%dma_wait3A_401] : memref<9216xf32, #tpu.memory_space<vmem>> -> memref<288xf32, #tpu.memory_space<vmem>>
    tpu.wait_dma2 semaphore(%arg8 : memref<!tpu.dma_semaphore, #tpu.memory_space<semaphore_mem>>) src(%dma_wait3A_402 : memref<288xf32, #tpu.memory_space<vmem>>) dst(%dma_wait3A_400 : memref<288xf32, #tpu.memory_space<hbm>>)
    %dma_wait3A_403 = arith.constant 3456 : i32
    %dma_wait3A_404 = tpu.memref_slice %arg7[%dma_wait3A_403] : memref<9216xf32, #tpu.memory_space<vmem>> -> memref<288xf32, #tpu.memory_space<vmem>>
    %dma_wait3A_405 = tpu.memref_slice %arg4[%mul3A_134] : memref<294912xf32, #tpu.memory_space<hbm>> -> memref<288xf32, #tpu.memory_space<hbm>>
    %dma_wait3A_406 = tpu.memref_slice %arg4[%mul3A_134] : memref<294912xf32, #tpu.memory_space<hbm>> -> memref<288xf32, #tpu.memory_space<hbm>>
    %dma_wait3A_407 = arith.constant 3456 : i32
    %dma_wait3A_408 = tpu.memref_slice %arg7[%dma_wait3A_407] : memref<9216xf32, #tpu.memory_space<vmem>> -> memref<288xf32, #tpu.memory_space<vmem>>
    tpu.wait_dma2 semaphore(%arg8 : memref<!tpu.dma_semaphore, #tpu.memory_space<semaphore_mem>>) src(%dma_wait3A_408 : memref<288xf32, #tpu.memory_space<vmem>>) dst(%dma_wait3A_406 : memref<288xf32, #tpu.memory_space<hbm>>)
    %dma_wait3A_409 = arith.constant 3744 : i32
    %dma_wait3A_410 = tpu.memref_slice %arg7[%dma_wait3A_409] : memref<9216xf32, #tpu.memory_space<vmem>> -> memref<288xf32, #tpu.memory_space<vmem>>
    %dma_wait3A_411 = tpu.memref_slice %arg4[%mul3A_144] : memref<294912xf32, #tpu.memory_space<hbm>> -> memref<288xf32, #tpu.memory_space<hbm>>
    %dma_wait3A_412 = tpu.memref_slice %arg4[%mul3A_144] : memref<294912xf32, #tpu.memory_space<hbm>> -> memref<288xf32, #tpu.memory_space<hbm>>
    %dma_wait3A_413 = arith.constant 3744 : i32
    %dma_wait3A_414 = tpu.memref_slice %arg7[%dma_wait3A_413] : memref<9216xf32, #tpu.memory_space<vmem>> -> memref<288xf32, #tpu.memory_space<vmem>>
    tpu.wait_dma2 semaphore(%arg8 : memref<!tpu.dma_semaphore, #tpu.memory_space<semaphore_mem>>) src(%dma_wait3A_414 : memref<288xf32, #tpu.memory_space<vmem>>) dst(%dma_wait3A_412 : memref<288xf32, #tpu.memory_space<hbm>>)
    %dma_wait3A_415 = arith.constant 4032 : i32
    %dma_wait3A_416 = tpu.memref_slice %arg7[%dma_wait3A_415] : memref<9216xf32, #tpu.memory_space<vmem>> -> memref<288xf32, #tpu.memory_space<vmem>>
    %dma_wait3A_417 = tpu.memref_slice %arg4[%mul3A_154] : memref<294912xf32, #tpu.memory_space<hbm>> -> memref<288xf32, #tpu.memory_space<hbm>>
    %dma_wait3A_418 = tpu.memref_slice %arg4[%mul3A_154] : memref<294912xf32, #tpu.memory_space<hbm>> -> memref<288xf32, #tpu.memory_space<hbm>>
    %dma_wait3A_419 = arith.constant 4032 : i32
    %dma_wait3A_420 = tpu.memref_slice %arg7[%dma_wait3A_419] : memref<9216xf32, #tpu.memory_space<vmem>> -> memref<288xf32, #tpu.memory_space<vmem>>
    tpu.wait_dma2 semaphore(%arg8 : memref<!tpu.dma_semaphore, #tpu.memory_space<semaphore_mem>>) src(%dma_wait3A_420 : memref<288xf32, #tpu.memory_space<vmem>>) dst(%dma_wait3A_418 : memref<288xf32, #tpu.memory_space<hbm>>)
    %dma_wait3A_421 = arith.constant 4320 : i32
    %dma_wait3A_422 = tpu.memref_slice %arg7[%dma_wait3A_421] : memref<9216xf32, #tpu.memory_space<vmem>> -> memref<288xf32, #tpu.memory_space<vmem>>
    %dma_wait3A_423 = tpu.memref_slice %arg4[%mul3A_164] : memref<294912xf32, #tpu.memory_space<hbm>> -> memref<288xf32, #tpu.memory_space<hbm>>
    %dma_wait3A_424 = tpu.memref_slice %arg4[%mul3A_164] : memref<294912xf32, #tpu.memory_space<hbm>> -> memref<288xf32, #tpu.memory_space<hbm>>
    %dma_wait3A_425 = arith.constant 4320 : i32
    %dma_wait3A_426 = tpu.memref_slice %arg7[%dma_wait3A_425] : memref<9216xf32, #tpu.memory_space<vmem>> -> memref<288xf32, #tpu.memory_space<vmem>>
    tpu.wait_dma2 semaphore(%arg8 : memref<!tpu.dma_semaphore, #tpu.memory_space<semaphore_mem>>) src(%dma_wait3A_426 : memref<288xf32, #tpu.memory_space<vmem>>) dst(%dma_wait3A_424 : memref<288xf32, #tpu.memory_space<hbm>>)
    %dma_wait3A_427 = arith.constant 4608 : i32
    %dma_wait3A_428 = tpu.memref_slice %arg7[%dma_wait3A_427] : memref<9216xf32, #tpu.memory_space<vmem>> -> memref<288xf32, #tpu.memory_space<vmem>>
    %dma_wait3A_429 = tpu.memref_slice %arg4[%mul3A_174] : memref<294912xf32, #tpu.memory_space<hbm>> -> memref<288xf32, #tpu.memory_space<hbm>>
    %dma_wait3A_430 = tpu.memref_slice %arg4[%mul3A_174] : memref<294912xf32, #tpu.memory_space<hbm>> -> memref<288xf32, #tpu.memory_space<hbm>>
    %dma_wait3A_431 = arith.constant 4608 : i32
    %dma_wait3A_432 = tpu.memref_slice %arg7[%dma_wait3A_431] : memref<9216xf32, #tpu.memory_space<vmem>> -> memref<288xf32, #tpu.memory_space<vmem>>
    tpu.wait_dma2 semaphore(%arg8 : memref<!tpu.dma_semaphore, #tpu.memory_space<semaphore_mem>>) src(%dma_wait3A_432 : memref<288xf32, #tpu.memory_space<vmem>>) dst(%dma_wait3A_430 : memref<288xf32, #tpu.memory_space<hbm>>)
    %dma_wait3A_433 = arith.constant 4896 : i32
    %dma_wait3A_434 = tpu.memref_slice %arg7[%dma_wait3A_433] : memref<9216xf32, #tpu.memory_space<vmem>> -> memref<288xf32, #tpu.memory_space<vmem>>
    %dma_wait3A_435 = tpu.memref_slice %arg4[%mul3A_184] : memref<294912xf32, #tpu.memory_space<hbm>> -> memref<288xf32, #tpu.memory_space<hbm>>
    %dma_wait3A_436 = tpu.memref_slice %arg4[%mul3A_184] : memref<294912xf32, #tpu.memory_space<hbm>> -> memref<288xf32, #tpu.memory_space<hbm>>
    %dma_wait3A_437 = arith.constant 4896 : i32
    %dma_wait3A_438 = tpu.memref_slice %arg7[%dma_wait3A_437] : memref<9216xf32, #tpu.memory_space<vmem>> -> memref<288xf32, #tpu.memory_space<vmem>>
    tpu.wait_dma2 semaphore(%arg8 : memref<!tpu.dma_semaphore, #tpu.memory_space<semaphore_mem>>) src(%dma_wait3A_438 : memref<288xf32, #tpu.memory_space<vmem>>) dst(%dma_wait3A_436 : memref<288xf32, #tpu.memory_space<hbm>>)
    %dma_wait3A_439 = arith.constant 5184 : i32
    %dma_wait3A_440 = tpu.memref_slice %arg7[%dma_wait3A_439] : memref<9216xf32, #tpu.memory_space<vmem>> -> memref<288xf32, #tpu.memory_space<vmem>>
    %dma_wait3A_441 = tpu.memref_slice %arg4[%mul3A_194] : memref<294912xf32, #tpu.memory_space<hbm>> -> memref<288xf32, #tpu.memory_space<hbm>>
    %dma_wait3A_442 = tpu.memref_slice %arg4[%mul3A_194] : memref<294912xf32, #tpu.memory_space<hbm>> -> memref<288xf32, #tpu.memory_space<hbm>>
    %dma_wait3A_443 = arith.constant 5184 : i32
    %dma_wait3A_444 = tpu.memref_slice %arg7[%dma_wait3A_443] : memref<9216xf32, #tpu.memory_space<vmem>> -> memref<288xf32, #tpu.memory_space<vmem>>
    tpu.wait_dma2 semaphore(%arg8 : memref<!tpu.dma_semaphore, #tpu.memory_space<semaphore_mem>>) src(%dma_wait3A_444 : memref<288xf32, #tpu.memory_space<vmem>>) dst(%dma_wait3A_442 : memref<288xf32, #tpu.memory_space<hbm>>)
    %dma_wait3A_445 = arith.constant 5472 : i32
    %dma_wait3A_446 = tpu.memref_slice %arg7[%dma_wait3A_445] : memref<9216xf32, #tpu.memory_space<vmem>> -> memref<288xf32, #tpu.memory_space<vmem>>
    %dma_wait3A_447 = tpu.memref_slice %arg4[%mul3A_204] : memref<294912xf32, #tpu.memory_space<hbm>> -> memref<288xf32, #tpu.memory_space<hbm>>
    %dma_wait3A_448 = tpu.memref_slice %arg4[%mul3A_204] : memref<294912xf32, #tpu.memory_space<hbm>> -> memref<288xf32, #tpu.memory_space<hbm>>
    %dma_wait3A_449 = arith.constant 5472 : i32
    %dma_wait3A_450 = tpu.memref_slice %arg7[%dma_wait3A_449] : memref<9216xf32, #tpu.memory_space<vmem>> -> memref<288xf32, #tpu.memory_space<vmem>>
    tpu.wait_dma2 semaphore(%arg8 : memref<!tpu.dma_semaphore, #tpu.memory_space<semaphore_mem>>) src(%dma_wait3A_450 : memref<288xf32, #tpu.memory_space<vmem>>) dst(%dma_wait3A_448 : memref<288xf32, #tpu.memory_space<hbm>>)
    %dma_wait3A_451 = arith.constant 5760 : i32
    %dma_wait3A_452 = tpu.memref_slice %arg7[%dma_wait3A_451] : memref<9216xf32, #tpu.memory_space<vmem>> -> memref<288xf32, #tpu.memory_space<vmem>>
    %dma_wait3A_453 = tpu.memref_slice %arg4[%mul3A_214] : memref<294912xf32, #tpu.memory_space<hbm>> -> memref<288xf32, #tpu.memory_space<hbm>>
    %dma_wait3A_454 = tpu.memref_slice %arg4[%mul3A_214] : memref<294912xf32, #tpu.memory_space<hbm>> -> memref<288xf32, #tpu.memory_space<hbm>>
    %dma_wait3A_455 = arith.constant 5760 : i32
    %dma_wait3A_456 = tpu.memref_slice %arg7[%dma_wait3A_455] : memref<9216xf32, #tpu.memory_space<vmem>> -> memref<288xf32, #tpu.memory_space<vmem>>
    tpu.wait_dma2 semaphore(%arg8 : memref<!tpu.dma_semaphore, #tpu.memory_space<semaphore_mem>>) src(%dma_wait3A_456 : memref<288xf32, #tpu.memory_space<vmem>>) dst(%dma_wait3A_454 : memref<288xf32, #tpu.memory_space<hbm>>)
    %dma_wait3A_457 = arith.constant 6048 : i32
    %dma_wait3A_458 = tpu.memref_slice %arg7[%dma_wait3A_457] : memref<9216xf32, #tpu.memory_space<vmem>> -> memref<288xf32, #tpu.memory_space<vmem>>
    %dma_wait3A_459 = tpu.memref_slice %arg4[%mul3A_224] : memref<294912xf32, #tpu.memory_space<hbm>> -> memref<288xf32, #tpu.memory_space<hbm>>
    %dma_wait3A_460 = tpu.memref_slice %arg4[%mul3A_224] : memref<294912xf32, #tpu.memory_space<hbm>> -> memref<288xf32, #tpu.memory_space<hbm>>
    %dma_wait3A_461 = arith.constant 6048 : i32
    %dma_wait3A_462 = tpu.memref_slice %arg7[%dma_wait3A_461] : memref<9216xf32, #tpu.memory_space<vmem>> -> memref<288xf32, #tpu.memory_space<vmem>>
    tpu.wait_dma2 semaphore(%arg8 : memref<!tpu.dma_semaphore, #tpu.memory_space<semaphore_mem>>) src(%dma_wait3A_462 : memref<288xf32, #tpu.memory_space<vmem>>) dst(%dma_wait3A_460 : memref<288xf32, #tpu.memory_space<hbm>>)
    %dma_wait3A_463 = arith.constant 6336 : i32
    %dma_wait3A_464 = tpu.memref_slice %arg7[%dma_wait3A_463] : memref<9216xf32, #tpu.memory_space<vmem>> -> memref<288xf32, #tpu.memory_space<vmem>>
    %dma_wait3A_465 = tpu.memref_slice %arg4[%mul3A_234] : memref<294912xf32, #tpu.memory_space<hbm>> -> memref<288xf32, #tpu.memory_space<hbm>>
    %dma_wait3A_466 = tpu.memref_slice %arg4[%mul3A_234] : memref<294912xf32, #tpu.memory_space<hbm>> -> memref<288xf32, #tpu.memory_space<hbm>>
    %dma_wait3A_467 = arith.constant 6336 : i32
    %dma_wait3A_468 = tpu.memref_slice %arg7[%dma_wait3A_467] : memref<9216xf32, #tpu.memory_space<vmem>> -> memref<288xf32, #tpu.memory_space<vmem>>
    tpu.wait_dma2 semaphore(%arg8 : memref<!tpu.dma_semaphore, #tpu.memory_space<semaphore_mem>>) src(%dma_wait3A_468 : memref<288xf32, #tpu.memory_space<vmem>>) dst(%dma_wait3A_466 : memref<288xf32, #tpu.memory_space<hbm>>)
    %dma_wait3A_469 = arith.constant 6624 : i32
    %dma_wait3A_470 = tpu.memref_slice %arg7[%dma_wait3A_469] : memref<9216xf32, #tpu.memory_space<vmem>> -> memref<288xf32, #tpu.memory_space<vmem>>
    %dma_wait3A_471 = tpu.memref_slice %arg4[%mul3A_244] : memref<294912xf32, #tpu.memory_space<hbm>> -> memref<288xf32, #tpu.memory_space<hbm>>
    %dma_wait3A_472 = tpu.memref_slice %arg4[%mul3A_244] : memref<294912xf32, #tpu.memory_space<hbm>> -> memref<288xf32, #tpu.memory_space<hbm>>
    %dma_wait3A_473 = arith.constant 6624 : i32
    %dma_wait3A_474 = tpu.memref_slice %arg7[%dma_wait3A_473] : memref<9216xf32, #tpu.memory_space<vmem>> -> memref<288xf32, #tpu.memory_space<vmem>>
    tpu.wait_dma2 semaphore(%arg8 : memref<!tpu.dma_semaphore, #tpu.memory_space<semaphore_mem>>) src(%dma_wait3A_474 : memref<288xf32, #tpu.memory_space<vmem>>) dst(%dma_wait3A_472 : memref<288xf32, #tpu.memory_space<hbm>>)
    %dma_wait3A_475 = arith.constant 6912 : i32
    %dma_wait3A_476 = tpu.memref_slice %arg7[%dma_wait3A_475] : memref<9216xf32, #tpu.memory_space<vmem>> -> memref<288xf32, #tpu.memory_space<vmem>>
    %dma_wait3A_477 = tpu.memref_slice %arg4[%mul3A_254] : memref<294912xf32, #tpu.memory_space<hbm>> -> memref<288xf32, #tpu.memory_space<hbm>>
    %dma_wait3A_478 = tpu.memref_slice %arg4[%mul3A_254] : memref<294912xf32, #tpu.memory_space<hbm>> -> memref<288xf32, #tpu.memory_space<hbm>>
    %dma_wait3A_479 = arith.constant 6912 : i32
    %dma_wait3A_480 = tpu.memref_slice %arg7[%dma_wait3A_479] : memref<9216xf32, #tpu.memory_space<vmem>> -> memref<288xf32, #tpu.memory_space<vmem>>
    tpu.wait_dma2 semaphore(%arg8 : memref<!tpu.dma_semaphore, #tpu.memory_space<semaphore_mem>>) src(%dma_wait3A_480 : memref<288xf32, #tpu.memory_space<vmem>>) dst(%dma_wait3A_478 : memref<288xf32, #tpu.memory_space<hbm>>)
    %dma_wait3A_481 = arith.constant 7200 : i32
    %dma_wait3A_482 = tpu.memref_slice %arg7[%dma_wait3A_481] : memref<9216xf32, #tpu.memory_space<vmem>> -> memref<288xf32, #tpu.memory_space<vmem>>
    %dma_wait3A_483 = tpu.memref_slice %arg4[%mul3A_264] : memref<294912xf32, #tpu.memory_space<hbm>> -> memref<288xf32, #tpu.memory_space<hbm>>
    %dma_wait3A_484 = tpu.memref_slice %arg4[%mul3A_264] : memref<294912xf32, #tpu.memory_space<hbm>> -> memref<288xf32, #tpu.memory_space<hbm>>
    %dma_wait3A_485 = arith.constant 7200 : i32
    %dma_wait3A_486 = tpu.memref_slice %arg7[%dma_wait3A_485] : memref<9216xf32, #tpu.memory_space<vmem>> -> memref<288xf32, #tpu.memory_space<vmem>>
    tpu.wait_dma2 semaphore(%arg8 : memref<!tpu.dma_semaphore, #tpu.memory_space<semaphore_mem>>) src(%dma_wait3A_486 : memref<288xf32, #tpu.memory_space<vmem>>) dst(%dma_wait3A_484 : memref<288xf32, #tpu.memory_space<hbm>>)
    %dma_wait3A_487 = arith.constant 7488 : i32
    %dma_wait3A_488 = tpu.memref_slice %arg7[%dma_wait3A_487] : memref<9216xf32, #tpu.memory_space<vmem>> -> memref<288xf32, #tpu.memory_space<vmem>>
    %dma_wait3A_489 = tpu.memref_slice %arg4[%mul3A_274] : memref<294912xf32, #tpu.memory_space<hbm>> -> memref<288xf32, #tpu.memory_space<hbm>>
    %dma_wait3A_490 = tpu.memref_slice %arg4[%mul3A_274] : memref<294912xf32, #tpu.memory_space<hbm>> -> memref<288xf32, #tpu.memory_space<hbm>>
    %dma_wait3A_491 = arith.constant 7488 : i32
    %dma_wait3A_492 = tpu.memref_slice %arg7[%dma_wait3A_491] : memref<9216xf32, #tpu.memory_space<vmem>> -> memref<288xf32, #tpu.memory_space<vmem>>
    tpu.wait_dma2 semaphore(%arg8 : memref<!tpu.dma_semaphore, #tpu.memory_space<semaphore_mem>>) src(%dma_wait3A_492 : memref<288xf32, #tpu.memory_space<vmem>>) dst(%dma_wait3A_490 : memref<288xf32, #tpu.memory_space<hbm>>)
    %dma_wait3A_493 = arith.constant 7776 : i32
    %dma_wait3A_494 = tpu.memref_slice %arg7[%dma_wait3A_493] : memref<9216xf32, #tpu.memory_space<vmem>> -> memref<288xf32, #tpu.memory_space<vmem>>
    %dma_wait3A_495 = tpu.memref_slice %arg4[%mul3A_284] : memref<294912xf32, #tpu.memory_space<hbm>> -> memref<288xf32, #tpu.memory_space<hbm>>
    %dma_wait3A_496 = tpu.memref_slice %arg4[%mul3A_284] : memref<294912xf32, #tpu.memory_space<hbm>> -> memref<288xf32, #tpu.memory_space<hbm>>
    %dma_wait3A_497 = arith.constant 7776 : i32
    %dma_wait3A_498 = tpu.memref_slice %arg7[%dma_wait3A_497] : memref<9216xf32, #tpu.memory_space<vmem>> -> memref<288xf32, #tpu.memory_space<vmem>>
    tpu.wait_dma2 semaphore(%arg8 : memref<!tpu.dma_semaphore, #tpu.memory_space<semaphore_mem>>) src(%dma_wait3A_498 : memref<288xf32, #tpu.memory_space<vmem>>) dst(%dma_wait3A_496 : memref<288xf32, #tpu.memory_space<hbm>>)
    %dma_wait3A_499 = arith.constant 8064 : i32
    %dma_wait3A_500 = tpu.memref_slice %arg7[%dma_wait3A_499] : memref<9216xf32, #tpu.memory_space<vmem>> -> memref<288xf32, #tpu.memory_space<vmem>>
    %dma_wait3A_501 = tpu.memref_slice %arg4[%mul3A_294] : memref<294912xf32, #tpu.memory_space<hbm>> -> memref<288xf32, #tpu.memory_space<hbm>>
    %dma_wait3A_502 = tpu.memref_slice %arg4[%mul3A_294] : memref<294912xf32, #tpu.memory_space<hbm>> -> memref<288xf32, #tpu.memory_space<hbm>>
    %dma_wait3A_503 = arith.constant 8064 : i32
    %dma_wait3A_504 = tpu.memref_slice %arg7[%dma_wait3A_503] : memref<9216xf32, #tpu.memory_space<vmem>> -> memref<288xf32, #tpu.memory_space<vmem>>
    tpu.wait_dma2 semaphore(%arg8 : memref<!tpu.dma_semaphore, #tpu.memory_space<semaphore_mem>>) src(%dma_wait3A_504 : memref<288xf32, #tpu.memory_space<vmem>>) dst(%dma_wait3A_502 : memref<288xf32, #tpu.memory_space<hbm>>)
    %dma_wait3A_505 = arith.constant 8352 : i32
    %dma_wait3A_506 = tpu.memref_slice %arg7[%dma_wait3A_505] : memref<9216xf32, #tpu.memory_space<vmem>> -> memref<288xf32, #tpu.memory_space<vmem>>
    %dma_wait3A_507 = tpu.memref_slice %arg4[%mul3A_304] : memref<294912xf32, #tpu.memory_space<hbm>> -> memref<288xf32, #tpu.memory_space<hbm>>
    %dma_wait3A_508 = tpu.memref_slice %arg4[%mul3A_304] : memref<294912xf32, #tpu.memory_space<hbm>> -> memref<288xf32, #tpu.memory_space<hbm>>
    %dma_wait3A_509 = arith.constant 8352 : i32
    %dma_wait3A_510 = tpu.memref_slice %arg7[%dma_wait3A_509] : memref<9216xf32, #tpu.memory_space<vmem>> -> memref<288xf32, #tpu.memory_space<vmem>>
    tpu.wait_dma2 semaphore(%arg8 : memref<!tpu.dma_semaphore, #tpu.memory_space<semaphore_mem>>) src(%dma_wait3A_510 : memref<288xf32, #tpu.memory_space<vmem>>) dst(%dma_wait3A_508 : memref<288xf32, #tpu.memory_space<hbm>>)
    %dma_wait3A_511 = arith.constant 8640 : i32
    %dma_wait3A_512 = tpu.memref_slice %arg7[%dma_wait3A_511] : memref<9216xf32, #tpu.memory_space<vmem>> -> memref<288xf32, #tpu.memory_space<vmem>>
    %dma_wait3A_513 = tpu.memref_slice %arg4[%mul3A_314] : memref<294912xf32, #tpu.memory_space<hbm>> -> memref<288xf32, #tpu.memory_space<hbm>>
    %dma_wait3A_514 = tpu.memref_slice %arg4[%mul3A_314] : memref<294912xf32, #tpu.memory_space<hbm>> -> memref<288xf32, #tpu.memory_space<hbm>>
    %dma_wait3A_515 = arith.constant 8640 : i32
    %dma_wait3A_516 = tpu.memref_slice %arg7[%dma_wait3A_515] : memref<9216xf32, #tpu.memory_space<vmem>> -> memref<288xf32, #tpu.memory_space<vmem>>
    tpu.wait_dma2 semaphore(%arg8 : memref<!tpu.dma_semaphore, #tpu.memory_space<semaphore_mem>>) src(%dma_wait3A_516 : memref<288xf32, #tpu.memory_space<vmem>>) dst(%dma_wait3A_514 : memref<288xf32, #tpu.memory_space<hbm>>)
    %dma_wait3A_517 = arith.constant 8928 : i32
    %dma_wait3A_518 = tpu.memref_slice %arg7[%dma_wait3A_517] : memref<9216xf32, #tpu.memory_space<vmem>> -> memref<288xf32, #tpu.memory_space<vmem>>
    %dma_wait3A_519 = tpu.memref_slice %arg4[%mul3A_324] : memref<294912xf32, #tpu.memory_space<hbm>> -> memref<288xf32, #tpu.memory_space<hbm>>
    %dma_wait3A_520 = tpu.memref_slice %arg4[%mul3A_324] : memref<294912xf32, #tpu.memory_space<hbm>> -> memref<288xf32, #tpu.memory_space<hbm>>
    %dma_wait3A_521 = arith.constant 8928 : i32
    %dma_wait3A_522 = tpu.memref_slice %arg7[%dma_wait3A_521] : memref<9216xf32, #tpu.memory_space<vmem>> -> memref<288xf32, #tpu.memory_space<vmem>>
    tpu.wait_dma2 semaphore(%arg8 : memref<!tpu.dma_semaphore, #tpu.memory_space<semaphore_mem>>) src(%dma_wait3A_522 : memref<288xf32, #tpu.memory_space<vmem>>) dst(%dma_wait3A_520 : memref<288xf32, #tpu.memory_space<hbm>>)
    return
  }
}

</mosaic_0001>

<sc_bundles>
// kernel: kernel.4.cloned.1.call-start
scs
__scs_entry_jumppad:
0x0: {  	(pc) =	sbr.rel $0x88, $3  }
0x1: {  	(tag) =	ssettag $0x0;
	lr =	simm.s32 $0x1  }
0x2: {  	[smem:$0x3FA0] =	sst lr;
	_ =	strace $0xD0000000  }
0x3: {  	_ = 	snop  }
0x4: {  	_ = 	snop  }
0x5: {  	_ = 	snop  }
0x6: {  	_ = 	snop  }
0x7: {  	_ = 	snop  }
__scs_overlays_trampoline_lowered:
0x8: {  	[smem:$0x3FAF] =	sst s0  }
0x9: {  	[smem:$0x3FB0] =	sst s1  }
0xa: {  	[smem:$0x3FB1] =	sst s2  }
0xb: {  	[smem:$0x3FB2] =	sst s3  }
0xc: {  	[smem:$0x3FB3] =	sst s4  }
0xd: {  	[smem:$0x3FB4] =	sst s5  }
0xe: {  	[smem:$0x3FB5] =	sst s6  }
0xf: {  	[smem:$0x3FB6] =	sst s7  }
0x10: {  	[smem:$0x3FB7] =	sst s8  }
0x11: {  	[smem:$0x3FB8] =	sst s9;
	s0 =	simm.s32 @!p0 $0x0  }
0x12: {  	s1 =	sld [smem:$0x3F9E];
	s0 =	simm.s32 @p0 $0x1  }
0x13: {  	[smem:$0x3FB9] =	sst s0;
	s0 =	simm.s32 @!p1 $0x0  }
0x14: {  	s2 =	sld [smem:$0x3F9D];
	s0 =	simm.s32 @p1 $0x1  }
0x15: {  	[smem:$0x3FBA] =	sst s0;
	s0 =	simm.s32 @!p2 $0x0  }
0x16: {  	s3 =	sld [smem:$0x3FDB];
	s0 =	simm.s32 @p2 $0x1  }
0x17: {  	s4 =	simm.s32 $0x1BF5;
	[smem:$0x3FBC] =	sst s0  }
0x18: {  	s0 =	sld [smem:$0x3F9F];
	_ =	swait.ge [sflag:s4], $0x0  }
0x19: {  	s7 =	sld [smem:$0x3FA0]  }
0x1a: {  	s8 =	sadd.s32 $0xFFFFE003, lr  }
0x1b: {  	s9 =	sadd.s32 $0xFFFFFEF7, lr;
	s5 =	simm.s32 $0xFFFFFFFF;
	p2 =	slt.u32 s8, $0xFFFFF086  }
0x1c: {  	p1 =	slt.u32 s9, $0xF7A;
	s5 =	simm.s32 @!p2 $0x0  }
0x1d: {  	s5 =	simm.s32 @p1 $0x1;
	p0 =	seq.s32 s7, s2  }
0x1e: {  	s7 =	smul.u32 @!p0 $0xF7A, s2;
	p2 =	seq.s32 @!p0 s5, $0x0  }
0x1f: {  	s9 =	smul.u32 $0xF7A, s1;
	s8 =	simm.s32 @!p0 $0x1BF5;
	p2 =	por !p2, p0  }
0x20: {  	[sflag:s8] =	ssyncset.s32 @!p0 $0xFFFFF086;
	s6 =	sadd.s32 @!p0 s3, s7;
	s7 =	simm.s32 @!p0 $0x108  }
0x21: {  	s3 =	sadd.s32 s3, s9;
	s6 =	sadd.s32 @!p0 $0x88, s6;
	s7 =	simm.s32 @p2 $0x1082  }
0x22: {  	[simem:s7], [sflag:s8] =	dma.local @!p0 [hbm:s6], $0xF7A  }
0x23: {  	s9 =	sor.u32 $0xD0000000, s2;
	s6 =	simm.s32 $0x108;
	_ =	swait.ge @!p0 [sflag:s8], $0x0  }
0x24: {  	s3 =	sadd.s32 $0x88, s3;
	s6 =	simm.s32 @!p1 $0x1082;
	[sflag:s4] =	ssyncset.s32 $0xFFFFF086  }
0x25: {  	[simem:s6], [sflag:s4] =	dma.local [hbm:s3], $0xF7A  }
0x26: {  	[smem:$0x3FA0] =	sst s1;
	(tag) =	ssettag s2;
	_ =	strace s9  }
0x27: {  	s1 =	sld [smem:$0x3FB0]  }
0x28: {  	s2 =	sld [smem:$0x3FB1]  }
0x29: {  	s4 =	sld [smem:$0x3FB3]  }
0x2a: {  	p0 =	seq.s32 s5, $0x0;
	s5 =	sld [smem:$0x3FB4]  }
0x2b: {  	s6 =	sld [smem:$0x3FB5]  }
0x2c: {  	s7 =	sld [smem:$0x3FB6]  }
0x2d: {  	s3 =	simm.s32 $0x108;
	s8 =	sld [smem:$0x3FB7]  }
0x2e: {  	s3 =	simm.s32 @!p0 $0x1082;
	s9 =	sld [smem:$0x3FB8]  }
0x2f: {  	lr =	sadd.s32 s0, s3;
	s0 =	sld [smem:$0x3FAF]  }
0x30: {  	s3 =	sld [smem:$0x3FB2]  }
0x31: {  	[smem:$0x3FBB] =	sst s10  }
0x32: {  	s10 =	sld [smem:$0x3FB9];
	_ =	sdelay $0x3  }
0x33: {  	p0 =	seq.s32 s10, $0x1;
	s10 =	sld [smem:$0x3FBB];
	_ =	sdelay $0x3  }
0x34: {  	[smem:$0x3FBB] =	sst s10  }
0x35: {  	s10 =	sld [smem:$0x3FBA];
	_ =	sdelay $0x3  }
0x36: {  	p1 =	seq.s32 s10, $0x1;
	s10 =	sld [smem:$0x3FBB];
	_ =	sdelay $0x3  }
0x37: {  	[smem:$0x3FBB] =	sst s10  }
0x38: {  	s10 =	sld [smem:$0x3FBC]  }
0x39: {  	_ = 	snop;
	(pc) =	sbr.ind lr, $3  }
0x3a: {  	_ = 	snop  }
0x3b: {  	_ = 	snop  }
0x3c: {  	p2 =	seq.s32 s10, $0x1;
	s10 =	sld [smem:$0x3FBB]  }
0x3d: {  	_ =	shalt  }
0x3e: {  	_ =	shalt  }
0x3f: {  	_ =	shalt  }
0x40: {  	_ =	shalt  }
0x41: {  	_ =	shalt  }
0x42: {  	_ =	shalt  }
0x43: {  	_ =	shalt  }
0x44: {  	_ =	shalt  }
0x45: {  	_ =	shalt  }
0x46: {  	_ =	shalt  }
0x47: {  	_ =	shalt  }
0x48: {  	_ =	shalt  }
0x49: {  	_ =	shalt  }
0x4a: {  	_ =	shalt  }
0x4b: {  	_ =	shalt  }
0x4c: {  	_ =	shalt  }
0x4d: {  	_ =	shalt  }
0x4e: {  	_ =	shalt  }
0x4f: {  	_ =	shalt  }
0x50: {  	_ =	shalt  }
0x51: {  	_ =	shalt  }
0x52: {  	_ =	shalt  }
0x53: {  	_ =	shalt  }
0x54: {  	_ =	shalt  }
0x55: {  	_ =	shalt  }
0x56: {  	_ =	shalt  }
0x57: {  	_ =	shalt  }
0x58: {  	_ =	shalt  }
0x59: {  	_ =	shalt  }
0x5a: {  	_ =	shalt  }
0x5b: {  	_ =	shalt  }
0x5c: {  	_ =	shalt  }
0x5d: {  	_ =	shalt  }
0x5e: {  	_ =	shalt  }
0x5f: {  	_ =	shalt  }
0x60: {  	_ =	shalt  }
0x61: {  	_ =	shalt  }
0x62: {  	_ =	shalt  }
0x63: {  	_ =	shalt  }
0x64: {  	_ =	shalt  }
0x65: {  	_ =	shalt  }
0x66: {  	_ =	shalt  }
0x67: {  	_ =	shalt  }
0x68: {  	_ =	shalt  }
0x69: {  	_ =	shalt  }
0x6a: {  	_ =	shalt  }
0x6b: {  	_ =	shalt  }
0x6c: {  	_ =	shalt  }
0x6d: {  	_ =	shalt  }
0x6e: {  	_ =	shalt  }
0x6f: {  	_ =	shalt  }
0x70: {  	_ =	shalt  }
0x71: {  	_ =	shalt  }
0x72: {  	_ =	shalt  }
0x73: {  	_ =	shalt  }
0x74: {  	_ =	shalt  }
0x75: {  	_ =	shalt  }
0x76: {  	_ =	shalt  }
0x77: {  	_ =	shalt  }
0x78: {  	_ =	shalt  }
0x79: {  	_ =	shalt  }
0x7a: {  	_ =	shalt  }
0x7b: {  	_ =	shalt  }
0x7c: {  	_ =	shalt  }
0x7d: {  	_ =	shalt  }
0x7e: {  	_ =	shalt  }
0x7f: {  	_ =	shalt  }
0x80: {  	_ =	shalt  }
0x81: {  	_ =	shalt  }
0x82: {  	_ =	shalt  }
0x83: {  	_ =	shalt  }
0x84: {  	_ =	shalt  }
0x85: {  	_ =	shalt  }
0x86: {  	_ =	shalt  }
0x87: {  	_ =	shalt  }
.Lfunc_end0:
.L_simem_size_0:
called_computation_lowered:
.L_overlay_start_0:
0x88: {  	s2 =	sld [smem:$0x3FD9]  }
0x89: {  	s3 =	sld [smem:$0x3FFE];
	_ =	sdelay $0x1  }
0x8a: {  	s1 =	srdreg.scid  }
0x8b: {  	s0 =	sand.u32 $0x1, s1  }
0x8c: {  	s17 =	sshll.u32 s0, $0xA;
	s2 =	sadd.s32 s3, s2  }
0x8d: {  	s2 =	sadd.s32 s2, s17  }
0x8e: {  	[smem:$0x3FC7] =	sst s2  }
0x8f: {  	_ = 	snop  }
0x90: {  	s2 =	sld [smem:$0x3FD0];
	(tm) =	ssettm $0x1  }
0x91: {  	s18 =	sld [smem:$0x3FFB];
	_ =	sdelay $0x3  }
0x92: {  	_ =	strace s18  }
0x93: {  	s3 =	sld [smem:$0x3FFC];
	_ =	sdelay $0x3  }
0x94: {  	_ =	strace s3  }
0x95: {  	s3 =	sld [smem:$0x3FFD];
	_ =	sdelay $0x3  }
0x96: {  	_ =	strace s3  }
0x97: {  	_ =	strace $0x8FFFFFFF  }
0x98: {  	s19 =	sld [smem:$0x3FDB];
	_ =	sdelay $0x1  }
0x99: {  	s4 =	simm.s32 $_scs_section_size  }
0x9a: {  	s5 =	simm.s32 $_size__tile_overlayer_lowered;
	s6 =	simm.s32 $_tile_overlayer_lowered  }
0x9b: {  	s22 =	simm.s32 $0x1BFF;
	s21 =	sshll.u32 s6, $0x1;
	s3 =	sadd.s32 s4, s19  }
0x9c: {  	s7 =	simm.s32 $0x0;
	s20 =	sshll.u32 s5, $0x1;
	s5 =	sadd.s32 s21, s3  }
0x9d: {  	[timem:s7], [sflag:s22] =	dma.local [hbm:s5], s20  }
0x9e: {  	_ =	swait.ge [sflag:s22], s20  }
0x9f: {  	s4 =	ssub.s32 $0x0, s20;
	[sflag:s22] =	ssyncset.done $0x0  }
0xa0: {  	[sflag:s22] =	ssyncadd.s32 s4;
	_ =	sdelay $0x1  }
0xa1: {  	s23 =	simm.s32 $0x1B8B  }
0xa2: {  	_ =	swait.ge [sflag:s23], $0x1  }
0xa3: {  	[sflag:s23] =	ssyncset.done $0x0  }
0xa4: {  	s25 =	simm.s32 $0x1B8E;
	s24 =	sld [smem:$0x3FFE];
	[sflag:s23] =	ssyncadd.s32 $0xFFFFFFFF  }
0xa5: {  	s26 =	simm.s32 $execute0_lowered;
	[smem:$0x3FD2] =	sst s25  }
0xa6: {  	s5 =	sshll.u32 s26, $0x1;
	_ =	strace $0x80000046;
	[dreg:$0x1] =	wrdreg $0xFFFFFFFF  }
0xa7: {  	s28 =	simm.s32 $_size_execute0_lowered;
	s3 =	sadd.s32 s3, s5;
	[dreg:$0x0] =	wrdreg $0x0  }
0xa8: {  	s5 =	sshll.u32 s28, $0x1;
	[dreg:$0x2] =	wrdreg s3  }
0xa9: {  	[dreg:$0x3] =	wrdreg s5  }
0xaa: {  	[dreg:$0x4] =	wrdreg $0xC0  }
0xab: {  	_ =	task [dreg:s7], $0x5FFFF  }
0xac: {  	[dreg:$0x1] =	wrdreg $0xFFFFFFFF  }
0xad: {  	[dreg:$0x0] =	wrdreg $0x60  }
0xae: {  	[dreg:$0x2] =	wrdreg s24  }
0xaf: {  	[dreg:$0x3] =	wrdreg s2  }
0xb0: {  	[dreg:$0x4] =	wrdreg $0x9  }
0xb1: {  	_ =	task.clear_ibuf [dreg:s7], $0x5FFFF;
	_ =	strace $0x90000046  }
0xb2: {  	s29 =	simm.s32 $0x9;
	_ =	strace $0x80000048  }
0xb3: {  	_ =	swait.ge [sflag:s29], $0x1  }
0xb4: {  	[sflag:s29] =	ssyncadd.s32 $0xFFFFFFFF  }
0xb5: {  	_ =	strace $0x90000048  }
0xb6: {  	_ =	sfence  }
0xb7: {  	s30 =	sld [smem:$0x0];
	_ =	sdelay $0x2  }
0xb8: {  	s31 =	sshll.u32 s1, $0xD;
	s1 =	sshrl.u32 s1, $0x2  }
0xb9: {  	s3 =	sand.u32 $0x4000, s31;
	s1 =	sadd.s32 s1, s30  }
0xba: {  	s0 =	sor.u32 s3, s0;
	s1 =	sshll.u32 s1, $0x11  }
0xbb: {  	s0 =	sor.u32 s1, s0  }
0xbc: {  	s0 =	sadd.s32 $0x8F2B, s0  }
0xbd: {  	[sflag:s0] =	ssyncadd.remote.s32 $0x1  }
0xbe: {  	_ =	sfence.sel $0xFFFF  }
0xbf: {  	[dreg:$0x0] =	wrdreg $0xFFFFFFFF;
	(pc) =	sbr.abs _section_cstart, $3  }
0xc0: {  	[dreg:$0x1] =	wrdreg $0xFFFFFFFF  }
0xc1: {  	_ =	task.clear_ibuf [dreg:s7], $0x2FFFF;
	_ =	strace $0x9FFFFFFF  }
0xc2: {  	(tm) =	ssettm $0x7FFFFFFF  }
0xc3: {  	_ =	shalt  }
tec
execute0_lowered:
.L_overlay_start_1:
0x0: {  	(tag) =	ssettag $0x1  }
0x1: {  	s0 =	rddreg [dreg:$0x0]  }
0x2: {  	s1 =	rddreg [dreg:$0x1]  }
0x3: {  	s3 =	srdreg.scid;
	s6 =	stileid.u32;
	s2 =	simm.s32 $0x0  }
0x4: {  	s10 =	simm.s32 $0x0;
	s14 =	simm.s32 $0x10000;
	s3 =	sand.u32 $0x1, s3  }
0x5: {  	s4 =	sshll.u32 s6, $0x1;
	[smem:$0x7FF] =	sst s2;
	s6 =	sshrl.u32 s6, $0x2  }
0x6: {  	s4 =	sor.u32 s3, s4;
	_ =	strace $0x80000047;
	s6 =	smul.u32 $0x12000, s6  }
0x7: {  	s3 =	ssub.s32 $0x2, s3;
	s5 =	sshll.u32 s4, $0xD;
	s9 =	smul.u32 $0x120, s4  }
0x8: {  	s7 =	sshrl.u32 s3, $0x1;
	s8 =	sshll.u32 s4, $0x7;
	s4 =	smul.u32 $0x24, s4  }
0x9: {  	s5 =	sadd.s32 s5, s0;
	s0 =	sadd.s32 $0x40C00, s0;
	s16 =	sand.u32 $0x380, s8  }
0xa: {  	s7 =	ssub.s32 s3, s7;
	s8 =	simm.s32 $0x2;
	s3 =	sor.u32 s6, s16  }
0xb: {  	s17 =	sshrl.u32 s9, $0x3;
	s5 =	sadd.s32 $0xC00, s5;
	s7 =	smax.u32 s7, $0x1  }
0xc: {  	s9 =	simm.s32 $0x1;
	[dreg:$0x3] =	wrdreg s5;
	s3 =	sshrl.u32 s3, $0x3  }
0xd: {  	s6 =	sadd.s32 s0, s17;
	s0 =	sadd.s32 s0, s4;
	s1 =	sadd.s32 s1, s3  }
0xe: {  	[dreg:$0x5] =	wrdreg s0;
	s18 =	sadd.s32 $0x480, s6;
	s19 =	sadd.s32 $0x900, s6  }
0xf: {  	s20 =	sadd.s32 $0xD80, s6;
	s21 =	sadd.s32 $0x1200, s6;
	[dreg:$0x4] =	wrdreg s1  }
0x10: {  	s22 =	sadd.s32 $0x1680, s6;
	s23 =	sadd.s32 $0x1B00, s6;
	[dreg:$0x6] =	wrdreg s18  }
0x11: {  	s24 =	sadd.s32 $0x1F80, s6;
	s25 =	sadd.s32 $0x2400, s6;
	[dreg:$0x7] =	wrdreg s19  }
0x12: {  	s26 =	sadd.s32 $0x2880, s6;
	s15 =	sadd.s32 $0x2D00, s6;
	[dreg:$0x8] =	wrdreg s20  }
0x13: {  	s16 =	sadd.s32 $0x3180, s6;
	s17 =	sadd.s32 $0x3600, s6;
	[dreg:$0x9] =	wrdreg s21  }
0x14: {  	s28 =	sadd.s32 $0x6300, s6;
	s29 =	sadd.s32 $0x6780, s6;
	[dreg:$0xa] =	wrdreg s22  }
0x15: {  	s30 =	sadd.s32 $0x6C00, s6;
	s31 =	sadd.s32 $0x7080, s6;
	[dreg:$0xb] =	wrdreg s23  }
0x16: {  	s0 =	sadd.s32 $0x7500, s6;
	s3 =	sadd.s32 $0x7E00, s6;
	[dreg:$0xc] =	wrdreg s24  }
0x17: {  	s4 =	sadd.s32 $0x8280, s6;
	s5 =	sadd.s32 $0x8700, s6;
	[dreg:$0xd] =	wrdreg s25  }
0x18: {  	[dreg:$0xe] =	wrdreg s26;
	s18 =	sadd.s32 $0x3A80, s6;
	s19 =	sadd.s32 $0x3F00, s6  }
0x19: {  	s20 =	sadd.s32 $0x4380, s6;
	s21 =	sadd.s32 $0x4800, s6;
	s22 =	sadd.s32 $0x4C80, s6  }
0x1a: {  	s23 =	sadd.s32 $0x5100, s6;
	s24 =	sadd.s32 $0x5580, s6;
	s25 =	sadd.s32 $0x5A00, s6  }
0x1b: {  	s26 =	sadd.s32 $0x5E80, s6;
	s1 =	sadd.s32 $0x7980, s6;
	s6 =	sadd.s32 $0x8B80, s6  }
.LBB2_1:
0x1c: {  	s11 =	rddreg [dreg:$0x3]  }
0x1d: {  	[tilespmem:s2], [sflag:$0x1] =	stream.linear.gather [hbm4b:s11+s2], $0x10000, $0x38;
	[tilespmem:$0x14800] =	vst v63  }
0x1e: {  	s12 =	simm.s32 $0x80;
	s13 =	simm.s32 $0x400;
	s11 =	rddreg [dreg:$0x4]  }
0x1f: {  	[tilespmem:s14], [sflag:$0x2] =	stream.strided.gather [hbm4b:s11+s12], $0x2400, s13, s12, $0x38;
	[tilespmem:$0x14800] =	vst v63  }
0x20: {  	_ =	swait.ge [sflag:s8], $0x2400  }
0x21: {  	[sflag:s8] =	ssyncset.done $0x0  }
0x22: {  	[sflag:s8] =	ssyncadd.s32 $0xFFFFDC00  }
0x23: {  	_ =	swait.ge [sflag:s9], $0x10000  }
0x24: {  	[sflag:s9] =	ssyncset.done $0x0  }
0x25: {  	s13 =	simm.s32 $0x10040;
	[sflag:s9] =	ssyncadd.s32 $0xFFFF0000  }
0x26: {  	v0 =	vld [tilespmem:s13+$0x30]  }
0x27: {  	v1 =	vld [tilespmem:s13+$0xFFFFFFD0]  }
0x28: {  	v2 =	vld [tilespmem:s13+$0xFFFFFFE0]  }
0x29: {  	v3 =	vld [tilespmem:s13+$0xFFFFFFF0]  }
0x2a: {  	v4 =	vld [tilespmem:s13+$0x0]  }
0x2b: {  	v6 =	vld [tilespmem:s13+$0x10]  }
0x2c: {  	v7 =	vld [tilespmem:s13+$0x20]  }
0x2d: {  	v8 =	vld [tilespmem:s13+$0xFFFFFFC0]  }
0x2e: {  	v9 =	vld.idx.msk [tilespmem:v0+s2+$0x0], $0xffff  }
0x2f: {  	v10 =	vld.idx.msk [tilespmem:v1+s2+$0x0], $0xffff  }
0x30: {  	v5 =	vld.idx.msk [tilespmem:v2+s2+$0x0], $0xffff  }
0x31: {  	v3 =	vld.idx.msk [tilespmem:v3+s2+$0x0], $0xffff  }
0x32: {  	v0 =	vld.idx.msk [tilespmem:v4+s2+$0x0], $0xffff  }
0x33: {  	s11 =	simm.s32 $0x12440;
	v1 =	vld.idx.msk [tilespmem:v6+s2+$0x0], $0xffff  }
0x34: {  	v2 =	vld.idx.msk [tilespmem:v7+s2+$0x0], $0xffff;
	[tilespmem:s11+$0x30] =	vst v9  }
0x35: {  	s12 =	simm.s32 $0x0;
	s13 =	simm.s32 $0x100C0;
	v4 =	vld.idx.msk [tilespmem:v8+s2+$0x0], $0xffff;
	[tilespmem:s11+$0xFFFFFFD0] =	vst v10  }
.LBB2_2:
0x36: {  	v6 =	vld [tilespmem:s13+$0x30];
	s12 =	sadd.s32 $0x80, s12;
	[tilespmem:s11+$0xFFFFFFE0] =	vst v5  }
0x37: {  	v5 =	vld [tilespmem:s13+$0xFFFFFFD0];
	p0 =	slt.u32 s12, $0x2380;
	[tilespmem:s11+$0xFFFFFFF0] =	vst v3  }
0x38: {  	v3 =	vld [tilespmem:s13+$0xFFFFFFE0];
	[tilespmem:s11+$0x0] =	vst v0  }
0x39: {  	v0 =	vld [tilespmem:s13+$0xFFFFFFF0];
	[tilespmem:s11+$0x10] =	vst v1  }
0x3a: {  	v1 =	vld [tilespmem:s13+$0x0];
	[tilespmem:s11+$0x20] =	vst v2  }
0x3b: {  	v2 =	vld [tilespmem:s13+$0x10];
	[tilespmem:s11+$0xFFFFFFC0] =	vst v4  }
0x3c: {  	v4 =	vld [tilespmem:s13+$0x20]  }
0x3d: {  	v7 =	vld [tilespmem:s13+$0xFFFFFFC0]  }
0x3e: {  	v6 =	vld.idx.msk [tilespmem:v6+s2+$0x0], $0xffff  }
0x3f: {  	v8 =	vld.idx.msk [tilespmem:v5+s2+$0x0], $0xffff  }
0x40: {  	v5 =	vld.idx.msk [tilespmem:v3+s2+$0x0], $0xffff  }
.Ltmp0:
0x41: {  	v3 =	vld.idx.msk [tilespmem:v0+s2+$0x0], $0xffff;
	(pc) =	sbr.rel @p0 .LBB2_2-.Ltmp0, $4  }
0x42: {  	v0 =	vld.idx.msk [tilespmem:v1+s2+$0x0], $0xffff  }
0x43: {  	s11 =	sadd.s32 $0x80, s11;
	v1 =	vld.idx.msk [tilespmem:v2+s2+$0x0], $0xffff  }
0x44: {  	v2 =	vld.idx.msk [tilespmem:v4+s2+$0x0], $0xffff;
	[tilespmem:s11+$0x30] =	vst v6  }
0x45: {  	s13 =	sadd.s32 $0x80, s13;
	v4 =	vld.idx.msk [tilespmem:v7+s2+$0x0], $0xffff;
	[tilespmem:s11+$0xFFFFFFD0] =	vst v8  }
0x46: {  	[tilespmem:s11+$0xFFFFFFE0] =	vst v5  }
0x47: {  	[tilespmem:s11+$0xFFFFFFF0] =	vst v3  }
0x48: {  	[tilespmem:s11+$0x0] =	vst v0  }
0x49: {  	[tilespmem:s11+$0x10] =	vst v1  }
0x4a: {  	[tilespmem:s11+$0x20] =	vst v2  }
0x4b: {  	[tilespmem:s11+$0xFFFFFFC0] =	vst v4  }
0x4c: {  	s12 =	simm.s32 $0x12400;
	s11 =	rddreg [dreg:$0x5]  }
0x4d: {  	[hbm4b:s11+s2] =	stream.linear.scatter [tilespmem:s12], [sflag:$0x1], $0x120, $0x38;
	[tilespmem:$0x14800] =	vst v63  }
0x4e: {  	s13 =	simm.s32 $0x12520;
	s12 =	rddreg [dreg:$0x6]  }
0x4f: {  	[hbm4b:s12+s2] =	stream.linear.scatter [tilespmem:s13], [sflag:$0x1], $0x120, $0x38;
	[tilespmem:$0x14800] =	vst v63  }
0x50: {  	s12 =	rddreg [dreg:$0x7];
	s13 =	simm.s32 $0x12640  }
0x51: {  	[hbm4b:s12+s2] =	stream.linear.scatter [tilespmem:s13], [sflag:$0x1], $0x120, $0x38;
	[tilespmem:$0x14800] =	vst v63  }
0x52: {  	s12 =	rddreg [dreg:$0x8];
	s13 =	simm.s32 $0x12760  }
0x53: {  	[hbm4b:s12+s2] =	stream.linear.scatter [tilespmem:s13], [sflag:$0x1], $0x120, $0x38;
	[tilespmem:$0x14800] =	vst v63  }
0x54: {  	s12 =	rddreg [dreg:$0x9];
	s13 =	simm.s32 $0x12880  }
0x55: {  	[hbm4b:s12+s2] =	stream.linear.scatter [tilespmem:s13], [sflag:$0x1], $0x120, $0x38;
	[tilespmem:$0x14800] =	vst v63  }
0x56: {  	s12 =	rddreg [dreg:$0xa];
	s13 =	simm.s32 $0x129A0  }
0x57: {  	[hbm4b:s12+s2] =	stream.linear.scatter [tilespmem:s13], [sflag:$0x1], $0x120, $0x38;
	[tilespmem:$0x14800] =	vst v63  }
0x58: {  	s12 =	rddreg [dreg:$0xb];
	s13 =	simm.s32 $0x12AC0  }
0x59: {  	[hbm4b:s12+s2] =	stream.linear.scatter [tilespmem:s13], [sflag:$0x1], $0x120, $0x38;
	[tilespmem:$0x14800] =	vst v63  }
0x5a: {  	s12 =	rddreg [dreg:$0xc];
	s13 =	simm.s32 $0x12BE0  }
0x5b: {  	[hbm4b:s12+s2] =	stream.linear.scatter [tilespmem:s13], [sflag:$0x1], $0x120, $0x38;
	[tilespmem:$0x14800] =	vst v63  }
0x5c: {  	s12 =	rddreg [dreg:$0xd];
	s13 =	simm.s32 $0x12D00  }
0x5d: {  	[hbm4b:s12+s2] =	stream.linear.scatter [tilespmem:s13], [sflag:$0x1], $0x120, $0x38;
	[tilespmem:$0x14800] =	vst v63  }
0x5e: {  	s12 =	rddreg [dreg:$0xe];
	s13 =	simm.s32 $0x12E20  }
0x5f: {  	[hbm4b:s12+s2] =	stream.linear.scatter [tilespmem:s13], [sflag:$0x1], $0x120, $0x38;
	[tilespmem:$0x14800] =	vst v63  }
0x60: {  	s12 =	simm.s32 $0x12F40  }
0x61: {  	[hbm4b:s15+s2] =	stream.linear.scatter [tilespmem:s12], [sflag:$0x1], $0x120, $0x38;
	[tilespmem:$0x14800] =	vst v63  }
0x62: {  	s13 =	simm.s32 $0x13060  }
0x63: {  	[hbm4b:s16+s2] =	stream.linear.scatter [tilespmem:s13], [sflag:$0x1], $0x120, $0x38;
	[tilespmem:$0x14800] =	vst v63  }
0x64: {  	s12 =	simm.s32 $0x13180  }
0x65: {  	[hbm4b:s17+s2] =	stream.linear.scatter [tilespmem:s12], [sflag:$0x1], $0x120, $0x38;
	[tilespmem:$0x14800] =	vst v63  }
0x66: {  	s13 =	simm.s32 $0x132A0  }
0x67: {  	[hbm4b:s18+s2] =	stream.linear.scatter [tilespmem:s13], [sflag:$0x1], $0x120, $0x38;
	[tilespmem:$0x14800] =	vst v63  }
0x68: {  	s12 =	simm.s32 $0x133C0  }
0x69: {  	[hbm4b:s19+s2] =	stream.linear.scatter [tilespmem:s12], [sflag:$0x1], $0x120, $0x38;
	[tilespmem:$0x14800] =	vst v63  }
0x6a: {  	s13 =	simm.s32 $0x134E0  }
0x6b: {  	[hbm4b:s20+s2] =	stream.linear.scatter [tilespmem:s13], [sflag:$0x1], $0x120, $0x38;
	[tilespmem:$0x14800] =	vst v63  }
0x6c: {  	s12 =	simm.s32 $0x13600  }
0x6d: {  	[hbm4b:s21+s2] =	stream.linear.scatter [tilespmem:s12], [sflag:$0x1], $0x120, $0x38;
	[tilespmem:$0x14800] =	vst v63  }
0x6e: {  	s13 =	simm.s32 $0x13720  }
0x6f: {  	[hbm4b:s22+s2] =	stream.linear.scatter [tilespmem:s13], [sflag:$0x1], $0x120, $0x38;
	[tilespmem:$0x14800] =	vst v63  }
0x70: {  	s12 =	simm.s32 $0x13840  }
0x71: {  	[hbm4b:s23+s2] =	stream.linear.scatter [tilespmem:s12], [sflag:$0x1], $0x120, $0x38;
	[tilespmem:$0x14800] =	vst v63  }
0x72: {  	s13 =	simm.s32 $0x13960  }
0x73: {  	[hbm4b:s24+s2] =	stream.linear.scatter [tilespmem:s13], [sflag:$0x1], $0x120, $0x38;
	[tilespmem:$0x14800] =	vst v63  }
0x74: {  	s12 =	simm.s32 $0x13A80  }
0x75: {  	[hbm4b:s25+s2] =	stream.linear.scatter [tilespmem:s12], [sflag:$0x1], $0x120, $0x38;
	[tilespmem:$0x14800] =	vst v63  }
0x76: {  	s13 =	simm.s32 $0x13BA0  }
0x77: {  	[hbm4b:s26+s2] =	stream.linear.scatter [tilespmem:s13], [sflag:$0x1], $0x120, $0x38;
	[tilespmem:$0x14800] =	vst v63  }
0x78: {  	s12 =	simm.s32 $0x13CC0  }
0x79: {  	[hbm4b:s28+s2] =	stream.linear.scatter [tilespmem:s12], [sflag:$0x1], $0x120, $0x38;
	[tilespmem:$0x14800] =	vst v63  }
0x7a: {  	s13 =	simm.s32 $0x13DE0  }
0x7b: {  	[hbm4b:s29+s2] =	stream.linear.scatter [tilespmem:s13], [sflag:$0x1], $0x120, $0x38;
	[tilespmem:$0x14800] =	vst v63  }
0x7c: {  	s12 =	simm.s32 $0x13F00  }
0x7d: {  	[hbm4b:s30+s2] =	stream.linear.scatter [tilespmem:s12], [sflag:$0x1], $0x120, $0x38;
	[tilespmem:$0x14800] =	vst v63  }
0x7e: {  	s13 =	simm.s32 $0x14020  }
0x7f: {  	[hbm4b:s31+s2] =	stream.linear.scatter [tilespmem:s13], [sflag:$0x1], $0x120, $0x38;
	[tilespmem:$0x14800] =	vst v63  }
0x80: {  	s12 =	simm.s32 $0x14140  }
0x81: {  	[hbm4b:s0+s2] =	stream.linear.scatter [tilespmem:s12], [sflag:$0x1], $0x120, $0x38;
	[tilespmem:$0x14800] =	vst v63  }
0x82: {  	s13 =	simm.s32 $0x14260  }
0x83: {  	[hbm4b:s1+s2] =	stream.linear.scatter [tilespmem:s13], [sflag:$0x1], $0x120, $0x38;
	[tilespmem:$0x14800] =	vst v63  }
0x84: {  	s12 =	simm.s32 $0x14380  }
0x85: {  	[hbm4b:s3+s2] =	stream.linear.scatter [tilespmem:s12], [sflag:$0x1], $0x120, $0x38;
	[tilespmem:$0x14800] =	vst v63  }
0x86: {  	s13 =	simm.s32 $0x144A0  }
0x87: {  	[hbm4b:s4+s2] =	stream.linear.scatter [tilespmem:s13], [sflag:$0x1], $0x120, $0x38;
	[tilespmem:$0x14800] =	vst v63  }
0x88: {  	s12 =	simm.s32 $0x145C0  }
0x89: {  	[hbm4b:s5+s2] =	stream.linear.scatter [tilespmem:s12], [sflag:$0x1], $0x120, $0x38;
	[tilespmem:$0x14800] =	vst v63  }
0x8a: {  	s13 =	simm.s32 $0x146E0  }
0x8b: {  	[hbm4b:s6+s2] =	stream.linear.scatter [tilespmem:s13], [sflag:$0x1], $0x120, $0x38;
	[tilespmem:$0x14800] =	vst v63  }
0x8c: {  	_ =	swait.ge [sflag:s9], $0x120  }
0x8d: {  	[sflag:s9] =	ssyncset.done $0x0  }
0x8e: {  	[sflag:s9] =	ssyncadd.s32 $0xFFFFFEE0  }
0x8f: {  	_ =	swait.ge [sflag:s9], $0x120  }
0x90: {  	[sflag:s9] =	ssyncset.done $0x0  }
0x91: {  	[sflag:s9] =	ssyncadd.s32 $0xFFFFFEE0  }
0x92: {  	_ =	swait.ge [sflag:s9], $0x120  }
0x93: {  	[sflag:s9] =	ssyncset.done $0x0  }
0x94: {  	[sflag:s9] =	ssyncadd.s32 $0xFFFFFEE0  }
0x95: {  	_ =	swait.ge [sflag:s9], $0x120  }
0x96: {  	[sflag:s9] =	ssyncset.done $0x0  }
0x97: {  	[sflag:s9] =	ssyncadd.s32 $0xFFFFFEE0  }
0x98: {  	_ =	swait.ge [sflag:s9], $0x120  }
0x99: {  	[sflag:s9] =	ssyncset.done $0x0  }
0x9a: {  	[sflag:s9] =	ssyncadd.s32 $0xFFFFFEE0  }
0x9b: {  	_ =	swait.ge [sflag:s9], $0x120  }
0x9c: {  	[sflag:s9] =	ssyncset.done $0x0  }
0x9d: {  	[sflag:s9] =	ssyncadd.s32 $0xFFFFFEE0  }
0x9e: {  	_ =	swait.ge [sflag:s9], $0x120  }
0x9f: {  	[sflag:s9] =	ssyncset.done $0x0  }
0xa0: {  	[sflag:s9] =	ssyncadd.s32 $0xFFFFFEE0  }
0xa1: {  	_ =	swait.ge [sflag:s9], $0x120  }
0xa2: {  	[sflag:s9] =	ssyncset.done $0x0  }
0xa3: {  	[sflag:s9] =	ssyncadd.s32 $0xFFFFFEE0  }
0xa4: {  	_ =	swait.ge [sflag:s9], $0x120  }
0xa5: {  	[sflag:s9] =	ssyncset.done $0x0  }
0xa6: {  	[sflag:s9] =	ssyncadd.s32 $0xFFFFFEE0  }
0xa7: {  	_ =	swait.ge [sflag:s9], $0x120  }
0xa8: {  	[sflag:s9] =	ssyncset.done $0x0  }
0xa9: {  	[sflag:s9] =	ssyncadd.s32 $0xFFFFFEE0  }
0xaa: {  	_ =	swait.ge [sflag:s9], $0x120  }
0xab: {  	[sflag:s9] =	ssyncset.done $0x0  }
0xac: {  	[sflag:s9] =	ssyncadd.s32 $0xFFFFFEE0  }
0xad: {  	_ =	swait.ge [sflag:s9], $0x120  }
0xae: {  	[sflag:s9] =	ssyncset.done $0x0  }
0xaf: {  	[sflag:s9] =	ssyncadd.s32 $0xFFFFFEE0  }
0xb0: {  	_ =	swait.ge [sflag:s9], $0x120  }
0xb1: {  	[sflag:s9] =	ssyncset.done $0x0  }
0xb2: {  	[sflag:s9] =	ssyncadd.s32 $0xFFFFFEE0  }
0xb3: {  	_ =	swait.ge [sflag:s9], $0x120  }
0xb4: {  	[sflag:s9] =	ssyncset.done $0x0  }
0xb5: {  	[sflag:s9] =	ssyncadd.s32 $0xFFFFFEE0  }
0xb6: {  	_ =	swait.ge [sflag:s9], $0x120  }
0xb7: {  	[sflag:s9] =	ssyncset.done $0x0  }
0xb8: {  	[sflag:s9] =	ssyncadd.s32 $0xFFFFFEE0  }
0xb9: {  	_ =	swait.ge [sflag:s9], $0x120  }
0xba: {  	[sflag:s9] =	ssyncset.done $0x0  }
0xbb: {  	[sflag:s9] =	ssyncadd.s32 $0xFFFFFEE0  }
0xbc: {  	_ =	swait.ge [sflag:s9], $0x120  }
0xbd: {  	[sflag:s9] =	ssyncset.done $0x0  }
0xbe: {  	[sflag:s9] =	ssyncadd.s32 $0xFFFFFEE0  }
0xbf: {  	_ =	swait.ge [sflag:s9], $0x120  }
0xc0: {  	[sflag:s9] =	ssyncset.done $0x0  }
0xc1: {  	[sflag:s9] =	ssyncadd.s32 $0xFFFFFEE0  }
0xc2: {  	_ =	swait.ge [sflag:s9], $0x120  }
0xc3: {  	[sflag:s9] =	ssyncset.done $0x0  }
0xc4: {  	[sflag:s9] =	ssyncadd.s32 $0xFFFFFEE0  }
0xc5: {  	_ =	swait.ge [sflag:s9], $0x120  }
0xc6: {  	[sflag:s9] =	ssyncset.done $0x0  }
0xc7: {  	[sflag:s9] =	ssyncadd.s32 $0xFFFFFEE0  }
0xc8: {  	_ =	swait.ge [sflag:s9], $0x120  }
0xc9: {  	[sflag:s9] =	ssyncset.done $0x0  }
0xca: {  	[sflag:s9] =	ssyncadd.s32 $0xFFFFFEE0  }
0xcb: {  	_ =	swait.ge [sflag:s9], $0x120  }
0xcc: {  	[sflag:s9] =	ssyncset.done $0x0  }
0xcd: {  	[sflag:s9] =	ssyncadd.s32 $0xFFFFFEE0  }
0xce: {  	_ =	swait.ge [sflag:s9], $0x120  }
0xcf: {  	[sflag:s9] =	ssyncset.done $0x0  }
0xd0: {  	[sflag:s9] =	ssyncadd.s32 $0xFFFFFEE0  }
0xd1: {  	_ =	swait.ge [sflag:s9], $0x120  }
0xd2: {  	[sflag:s9] =	ssyncset.done $0x0  }
0xd3: {  	[sflag:s9] =	ssyncadd.s32 $0xFFFFFEE0  }
0xd4: {  	_ =	swait.ge [sflag:s9], $0x120  }
0xd5: {  	[sflag:s9] =	ssyncset.done $0x0  }
0xd6: {  	[sflag:s9] =	ssyncadd.s32 $0xFFFFFEE0  }
0xd7: {  	_ =	swait.ge [sflag:s9], $0x120  }
0xd8: {  	[sflag:s9] =	ssyncset.done $0x0  }
0xd9: {  	[sflag:s9] =	ssyncadd.s32 $0xFFFFFEE0  }
0xda: {  	_ =	swait.ge [sflag:s9], $0x120  }
0xdb: {  	[sflag:s9] =	ssyncset.done $0x0  }
0xdc: {  	[sflag:s9] =	ssyncadd.s32 $0xFFFFFEE0  }
0xdd: {  	_ =	swait.ge [sflag:s9], $0x120  }
0xde: {  	[sflag:s9] =	ssyncset.done $0x0  }
0xdf: {  	[sflag:s9] =	ssyncadd.s32 $0xFFFFFEE0  }
0xe0: {  	_ =	swait.ge [sflag:s9], $0x120  }
0xe1: {  	[sflag:s9] =	ssyncset.done $0x0  }
0xe2: {  	[sflag:s9] =	ssyncadd.s32 $0xFFFFFEE0  }
0xe3: {  	_ =	swait.ge [sflag:s9], $0x120  }
0xe4: {  	[sflag:s9] =	ssyncset.done $0x0  }
0xe5: {  	s10 =	sadd.s32 $0x1, s10;
	[sflag:s9] =	ssyncadd.s32 $0xFFFFFEE0  }
0xe6: {  	p0 =	sne.s32 s10, s7;
	_ =	swait.ge [sflag:s9], $0x120  }
.Ltmp1:
0xe7: {  	[sflag:s9] =	ssyncset.done $0x0;
	(pc) =	sbr.rel @p0 .LBB2_1-.Ltmp1, $4  }
0xe8: {  	[sflag:s9] =	ssyncadd.s32 $0xFFFFFEE0  }
0xe9: {  	_ =	swait.ge [sflag:s9], $0x120  }
0xea: {  	[sflag:s9] =	ssyncset.done $0x0  }
0xeb: {  	[sflag:s9] =	ssyncadd.s32 $0xFFFFFEE0  }
0xec: {  	_ =	sfence.sel $0x180000  }
0xed: {  	[bflag:$0x0] =	sbarrier.arrive $0xFFFF  }
0xee: {  	_ =	strace $0x90000047  }
0xef: {  	s0 =	stileid.u32;
	[bflag:$0x2] =	sbarrier.arrive $0xFFFF  }
0xf0: {  	p0 =	sne.s32 s0, $0x0;
	s0 =	rddreg [dreg:$0x2]  }
0xf1: {  	s0 =	sadd.s32 @!p0 $0x100000, s0  }
0xf2: {  	[sflag:s0] =	ssyncadd.tile.s32 @!p0 $0x1;
	_ =	shalt  }
.Lfunc_end2:
_tile_overlayer_lowered:
.L_overlay_start_2:
0xf3: {  	(tag) =	ssettag $0x2  }
0xf4: {  	s0 =	rddreg [dreg:$0x0];
	s2 =	stileid.u32  }
0xf5: {  	s1 =	rddreg [dreg:$0x1];
	p0 =	sne.s32 s2, $0x0  }
0xf6: {  	s3 =	rddreg [dreg:$0x2];
	[bflag:$0x3] =	sbarrier.arrive $0xFFFF;
	s2 =	simm.s32 @!p0 $0x1C02  }
0xf7: {  	[timem:s3], [sflag:s2] =	dma.local @!p0 [hbm:s0], s1  }
0xf8: {  	s0 =	simm.s32 @!p0 $0x2  }
0xf9: {  	_ =	swait.ge @!p0 [sflag:s0], s1  }
0xfa: {  	s1 =	ssub.s32 @!p0 $0x0, s1;
	[sflag:s0] =	ssyncset.done @!p0 $0x0  }
0xfb: {  	[sflag:s0] =	ssyncadd.s32 @!p0 s1  }
0xfc: {  	[bflag:$0x3] =	sbarrier.arrive $0xFFFF  }
0xfd: {  	_ =	shalt  }

// kernel: kernel.7.cloned.1.call-start
scs
__scs_entry_jumppad:
0x0: {  	(pc) =	sbr.rel $0x88, $3  }
0x1: {  	(tag) =	ssettag $0x0;
	lr =	simm.s32 $0x1  }
0x2: {  	[smem:$0x3FA0] =	sst lr;
	_ =	strace $0xD0000000  }
0x3: {  	_ = 	snop  }
0x4: {  	_ = 	snop  }
0x5: {  	_ = 	snop  }
0x6: {  	_ = 	snop  }
0x7: {  	_ = 	snop  }
__scs_overlays_trampoline_lowered:
0x8: {  	[smem:$0x3FAF] =	sst s0  }
0x9: {  	[smem:$0x3FB0] =	sst s1  }
0xa: {  	[smem:$0x3FB1] =	sst s2  }
0xb: {  	[smem:$0x3FB2] =	sst s3  }
0xc: {  	[smem:$0x3FB3] =	sst s4  }
0xd: {  	[smem:$0x3FB4] =	sst s5  }
0xe: {  	[smem:$0x3FB5] =	sst s6  }
0xf: {  	[smem:$0x3FB6] =	sst s7  }
0x10: {  	[smem:$0x3FB7] =	sst s8  }
0x11: {  	[smem:$0x3FB8] =	sst s9;
	s0 =	simm.s32 @!p0 $0x0  }
0x12: {  	s1 =	sld [smem:$0x3F9E];
	s0 =	simm.s32 @p0 $0x1  }
0x13: {  	[smem:$0x3FB9] =	sst s0;
	s0 =	simm.s32 @!p1 $0x0  }
0x14: {  	s2 =	sld [smem:$0x3F9D];
	s0 =	simm.s32 @p1 $0x1  }
0x15: {  	[smem:$0x3FBA] =	sst s0;
	s0 =	simm.s32 @!p2 $0x0  }
0x16: {  	s3 =	sld [smem:$0x3FDB];
	s0 =	simm.s32 @p2 $0x1  }
0x17: {  	s4 =	simm.s32 $0x1BF5;
	[smem:$0x3FBC] =	sst s0  }
0x18: {  	s0 =	sld [smem:$0x3F9F];
	_ =	swait.ge [sflag:s4], $0x0  }
0x19: {  	s7 =	sld [smem:$0x3FA0]  }
0x1a: {  	s8 =	sadd.s32 $0xFFFFE003, lr  }
0x1b: {  	s9 =	sadd.s32 $0xFFFFFEF7, lr;
	s5 =	simm.s32 $0xFFFFFFFF;
	p2 =	slt.u32 s8, $0xFFFFF086  }
0x1c: {  	p1 =	slt.u32 s9, $0xF7A;
	s5 =	simm.s32 @!p2 $0x0  }
0x1d: {  	s5 =	simm.s32 @p1 $0x1;
	p0 =	seq.s32 s7, s2  }
0x1e: {  	s7 =	smul.u32 @!p0 $0xF7A, s2;
	p2 =	seq.s32 @!p0 s5, $0x0  }
0x1f: {  	s9 =	smul.u32 $0xF7A, s1;
	s8 =	simm.s32 @!p0 $0x1BF5;
	p2 =	por !p2, p0  }
0x20: {  	[sflag:s8] =	ssyncset.s32 @!p0 $0xFFFFF086;
	s6 =	sadd.s32 @!p0 s3, s7;
	s7 =	simm.s32 @!p0 $0x108  }
0x21: {  	s3 =	sadd.s32 s3, s9;
	s6 =	sadd.s32 @!p0 $0x88, s6;
	s7 =	simm.s32 @p2 $0x1082  }
0x22: {  	[simem:s7], [sflag:s8] =	dma.local @!p0 [hbm:s6], $0xF7A  }
0x23: {  	s9 =	sor.u32 $0xD0000000, s2;
	s6 =	simm.s32 $0x108;
	_ =	swait.ge @!p0 [sflag:s8], $0x0  }
0x24: {  	s3 =	sadd.s32 $0x88, s3;
	s6 =	simm.s32 @!p1 $0x1082;
	[sflag:s4] =	ssyncset.s32 $0xFFFFF086  }
0x25: {  	[simem:s6], [sflag:s4] =	dma.local [hbm:s3], $0xF7A  }
0x26: {  	[smem:$0x3FA0] =	sst s1;
	(tag) =	ssettag s2;
	_ =	strace s9  }
0x27: {  	s1 =	sld [smem:$0x3FB0]  }
0x28: {  	s2 =	sld [smem:$0x3FB1]  }
0x29: {  	s4 =	sld [smem:$0x3FB3]  }
0x2a: {  	p0 =	seq.s32 s5, $0x0;
	s5 =	sld [smem:$0x3FB4]  }
0x2b: {  	s6 =	sld [smem:$0x3FB5]  }
0x2c: {  	s7 =	sld [smem:$0x3FB6]  }
0x2d: {  	s3 =	simm.s32 $0x108;
	s8 =	sld [smem:$0x3FB7]  }
0x2e: {  	s3 =	simm.s32 @!p0 $0x1082;
	s9 =	sld [smem:$0x3FB8]  }
0x2f: {  	lr =	sadd.s32 s0, s3;
	s0 =	sld [smem:$0x3FAF]  }
0x30: {  	s3 =	sld [smem:$0x3FB2]  }
0x31: {  	[smem:$0x3FBB] =	sst s10  }
0x32: {  	s10 =	sld [smem:$0x3FB9];
	_ =	sdelay $0x3  }
0x33: {  	p0 =	seq.s32 s10, $0x1;
	s10 =	sld [smem:$0x3FBB];
	_ =	sdelay $0x3  }
0x34: {  	[smem:$0x3FBB] =	sst s10  }
0x35: {  	s10 =	sld [smem:$0x3FBA];
	_ =	sdelay $0x3  }
0x36: {  	p1 =	seq.s32 s10, $0x1;
	s10 =	sld [smem:$0x3FBB];
	_ =	sdelay $0x3  }
0x37: {  	[smem:$0x3FBB] =	sst s10  }
0x38: {  	s10 =	sld [smem:$0x3FBC]  }
0x39: {  	_ = 	snop;
	(pc) =	sbr.ind lr, $3  }
0x3a: {  	_ = 	snop  }
0x3b: {  	_ = 	snop  }
0x3c: {  	p2 =	seq.s32 s10, $0x1;
	s10 =	sld [smem:$0x3FBB]  }
0x3d: {  	_ =	shalt  }
0x3e: {  	_ =	shalt  }
0x3f: {  	_ =	shalt  }
0x40: {  	_ =	shalt  }
0x41: {  	_ =	shalt  }
0x42: {  	_ =	shalt  }
0x43: {  	_ =	shalt  }
0x44: {  	_ =	shalt  }
0x45: {  	_ =	shalt  }
0x46: {  	_ =	shalt  }
0x47: {  	_ =	shalt  }
0x48: {  	_ =	shalt  }
0x49: {  	_ =	shalt  }
0x4a: {  	_ =	shalt  }
0x4b: {  	_ =	shalt  }
0x4c: {  	_ =	shalt  }
0x4d: {  	_ =	shalt  }
0x4e: {  	_ =	shalt  }
0x4f: {  	_ =	shalt  }
0x50: {  	_ =	shalt  }
0x51: {  	_ =	shalt  }
0x52: {  	_ =	shalt  }
0x53: {  	_ =	shalt  }
0x54: {  	_ =	shalt  }
0x55: {  	_ =	shalt  }
0x56: {  	_ =	shalt  }
0x57: {  	_ =	shalt  }
0x58: {  	_ =	shalt  }
0x59: {  	_ =	shalt  }
0x5a: {  	_ =	shalt  }
0x5b: {  	_ =	shalt  }
0x5c: {  	_ =	shalt  }
0x5d: {  	_ =	shalt  }
0x5e: {  	_ =	shalt  }
0x5f: {  	_ =	shalt  }
0x60: {  	_ =	shalt  }
0x61: {  	_ =	shalt  }
0x62: {  	_ =	shalt  }
0x63: {  	_ =	shalt  }
0x64: {  	_ =	shalt  }
0x65: {  	_ =	shalt  }
0x66: {  	_ =	shalt  }
0x67: {  	_ =	shalt  }
0x68: {  	_ =	shalt  }
0x69: {  	_ =	shalt  }
0x6a: {  	_ =	shalt  }
0x6b: {  	_ =	shalt  }
0x6c: {  	_ =	shalt  }
0x6d: {  	_ =	shalt  }
0x6e: {  	_ =	shalt  }
0x6f: {  	_ =	shalt  }
0x70: {  	_ =	shalt  }
0x71: {  	_ =	shalt  }
0x72: {  	_ =	shalt  }
0x73: {  	_ =	shalt  }
0x74: {  	_ =	shalt  }
0x75: {  	_ =	shalt  }
0x76: {  	_ =	shalt  }
0x77: {  	_ =	shalt  }
0x78: {  	_ =	shalt  }
0x79: {  	_ =	shalt  }
0x7a: {  	_ =	shalt  }
0x7b: {  	_ =	shalt  }
0x7c: {  	_ =	shalt  }
0x7d: {  	_ =	shalt  }
0x7e: {  	_ =	shalt  }
0x7f: {  	_ =	shalt  }
0x80: {  	_ =	shalt  }
0x81: {  	_ =	shalt  }
0x82: {  	_ =	shalt  }
0x83: {  	_ =	shalt  }
0x84: {  	_ =	shalt  }
0x85: {  	_ =	shalt  }
0x86: {  	_ =	shalt  }
0x87: {  	_ =	shalt  }
.Lfunc_end0:
.L_simem_size_0:
called_computation.1_lowered:
.L_overlay_start_0:
0x88: {  	s2 =	sld [smem:$0x3FD9]  }
0x89: {  	s3 =	sld [smem:$0x3FFE];
	_ =	sdelay $0x1  }
0x8a: {  	s1 =	srdreg.scid  }
0x8b: {  	s0 =	sand.u32 $0x1, s1  }
0x8c: {  	s17 =	sshll.u32 s0, $0xA;
	s2 =	sadd.s32 s3, s2  }
0x8d: {  	s2 =	sadd.s32 s2, s17  }
0x8e: {  	[smem:$0x3FC7] =	sst s2  }
0x8f: {  	_ = 	snop  }
0x90: {  	s2 =	sld [smem:$0x3FD0];
	(tm) =	ssettm $0x1  }
0x91: {  	s18 =	sld [smem:$0x3FFB];
	_ =	sdelay $0x3  }
0x92: {  	_ =	strace s18  }
0x93: {  	s3 =	sld [smem:$0x3FFC];
	_ =	sdelay $0x3  }
0x94: {  	_ =	strace s3  }
0x95: {  	s3 =	sld [smem:$0x3FFD];
	_ =	sdelay $0x3  }
0x96: {  	_ =	strace s3  }
0x97: {  	_ =	strace $0x8FFFFFFF  }
0x98: {  	s19 =	sld [smem:$0x3FDB];
	_ =	sdelay $0x1  }
0x99: {  	s4 =	simm.s32 $_scs_section_size  }
0x9a: {  	s5 =	simm.s32 $_size__tile_overlayer_lowered;
	s6 =	simm.s32 $_tile_overlayer_lowered  }
0x9b: {  	s22 =	simm.s32 $0x1BFF;
	s21 =	sshll.u32 s6, $0x1;
	s3 =	sadd.s32 s4, s19  }
0x9c: {  	s7 =	simm.s32 $0x0;
	s20 =	sshll.u32 s5, $0x1;
	s5 =	sadd.s32 s21, s3  }
0x9d: {  	[timem:s7], [sflag:s22] =	dma.local [hbm:s5], s20  }
0x9e: {  	_ =	swait.ge [sflag:s22], s20  }
0x9f: {  	s4 =	ssub.s32 $0x0, s20;
	[sflag:s22] =	ssyncset.done $0x0  }
0xa0: {  	[sflag:s22] =	ssyncadd.s32 s4;
	_ =	sdelay $0x1  }
0xa1: {  	s23 =	simm.s32 $0x1B8B  }
0xa2: {  	_ =	swait.ge [sflag:s23], $0x1  }
0xa3: {  	[sflag:s23] =	ssyncset.done $0x0  }
0xa4: {  	s25 =	simm.s32 $0x1B8E;
	s24 =	sld [smem:$0x3FFE];
	[sflag:s23] =	ssyncadd.s32 $0xFFFFFFFF  }
0xa5: {  	s26 =	simm.s32 $execute0_lowered;
	[smem:$0x3FD2] =	sst s25  }
0xa6: {  	s5 =	sshll.u32 s26, $0x1;
	_ =	strace $0x80000049;
	[dreg:$0x1] =	wrdreg $0xFFFFFFFF  }
0xa7: {  	s28 =	simm.s32 $_size_execute0_lowered;
	s3 =	sadd.s32 s3, s5;
	[dreg:$0x0] =	wrdreg $0x0  }
0xa8: {  	s5 =	sshll.u32 s28, $0x1;
	[dreg:$0x2] =	wrdreg s3  }
0xa9: {  	[dreg:$0x3] =	wrdreg s5  }
0xaa: {  	[dreg:$0x4] =	wrdreg $0xC0  }
0xab: {  	_ =	task [dreg:s7], $0x5FFFF  }
0xac: {  	[dreg:$0x1] =	wrdreg $0xFFFFFFFF  }
0xad: {  	[dreg:$0x0] =	wrdreg $0x60  }
0xae: {  	[dreg:$0x2] =	wrdreg s24  }
0xaf: {  	[dreg:$0x3] =	wrdreg s2  }
0xb0: {  	[dreg:$0x4] =	wrdreg $0x9  }
0xb1: {  	_ =	task.clear_ibuf [dreg:s7], $0x5FFFF;
	_ =	strace $0x90000049  }
0xb2: {  	s29 =	simm.s32 $0x9;
	_ =	strace $0x8000004B  }
0xb3: {  	_ =	swait.ge [sflag:s29], $0x1  }
0xb4: {  	[sflag:s29] =	ssyncadd.s32 $0xFFFFFFFF  }
0xb5: {  	_ =	strace $0x9000004B  }
0xb6: {  	_ =	sfence  }
0xb7: {  	s30 =	sld [smem:$0x0];
	_ =	sdelay $0x2  }
0xb8: {  	s31 =	sshll.u32 s1, $0xD;
	s1 =	sshrl.u32 s1, $0x2  }
0xb9: {  	s3 =	sand.u32 $0x4000, s31;
	s1 =	sadd.s32 s1, s30  }
0xba: {  	s0 =	sor.u32 s3, s0;
	s1 =	sshll.u32 s1, $0x11  }
0xbb: {  	s0 =	sor.u32 s1, s0  }
0xbc: {  	s0 =	sadd.s32 $0x8F2B, s0  }
0xbd: {  	[sflag:s0] =	ssyncadd.remote.s32 $0x1  }
0xbe: {  	_ =	sfence.sel $0xFFFF  }
0xbf: {  	[dreg:$0x0] =	wrdreg $0xFFFFFFFF;
	(pc) =	sbr.abs _section_cstart, $3  }
0xc0: {  	[dreg:$0x1] =	wrdreg $0xFFFFFFFF  }
0xc1: {  	_ =	task.clear_ibuf [dreg:s7], $0x2FFFF;
	_ =	strace $0x9FFFFFFF  }
0xc2: {  	(tm) =	ssettm $0x7FFFFFFF  }
0xc3: {  	_ =	shalt  }
tec
execute0_lowered:
.L_overlay_start_1:
0x0: {  	(tag) =	ssettag $0x1  }
0x1: {  	s3 =	rddreg [dreg:$0x0];
	s1 =	srdreg.scid  }
0x2: {  	s0 =	stileid.u32;
	s5 =	rddreg [dreg:$0x1]  }
0x3: {  	s2 =	simm.s32 $0x0;
	s10 =	simm.s32 $0x400;
	s11 =	simm.s32 $0x12800  }
0x4: {  	s12 =	simm.s32 $0x3;
	s13 =	simm.s32 $0x2;
	s14 =	simm.s32 $0x1  }
0x5: {  	s15 =	simm.s32 $0x0;
	s4 =	sand.u32 $0x1, s1;
	s1 =	rddreg [dreg:$0x2]  }
0x6: {  	s6 =	sshll.u32 s0, $0x1;
	[smem:$0x7FF] =	sst s2;
	s8 =	sshrl.u32 s0, $0x2  }
0x7: {  	s6 =	sor.u32 s4, s6;
	_ =	strace $0x8000004A;
	s8 =	smul.u32 $0x1EC00, s8  }
0x8: {  	s4 =	ssub.s32 $0x2, s4;
	s7 =	smul.u32 $0x480, s6;
	s9 =	sshll.u32 s6, $0x7  }
0x9: {  	s6 =	sshll.u32 s6, $0xD;
	s30 =	sshrl.u32 s4, $0x1;
	s9 =	sand.u32 $0x380, s9  }
0xa: {  	s6 =	sadd.s32 s6, s3;
	s31 =	ssub.s32 s4, s30;
	s7 =	sadd.s32 s7, s3  }
0xb: {  	s8 =	sor.u32 s8, s9;
	s3 =	sadd.s32 $0xC00, s6;
	s6 =	sadd.s32 $0x49C00, s6  }
0xc: {  	s9 =	simm.s32 $0x80;
	s8 =	sshrl.u32 s8, $0x3;
	s4 =	sadd.s32 $0x40C00, s7  }
0xd: {  	s7 =	smax.u32 s31, $0x1;
	s5 =	sadd.s32 s5, s8;
	s8 =	simm.s32 $0x10400  }
.LBB2_1:
0xe: {  	[tilespmem:s2], [sflag:$0x1] =	stream.linear.gather [hbm4b:s3+s2], $0x10000, $0x38;
	[tilespmem:$0x16580] =	vst v63  }
0xf: {  	_ = 	snop  }
0x10: {  	[tilespmem:s8], [sflag:$0x2] =	stream.linear.gather [hbm4b:s4+s2], $0x2400, $0x38;
	[tilespmem:$0x16580] =	vst v63  }
0x11: {  	_ = 	snop  }
0x12: {  	[tilespmem:s11], [sflag:$0x3] =	stream.strided.gather [hbm4b:s5+s9], $0x3D80, s10, s9, $0x38;
	[tilespmem:$0x16580] =	vst v63  }
0x13: {  	_ =	swait.ge [sflag:s12], $0x3D80  }
0x14: {  	[sflag:s12] =	ssyncset.done $0x0  }
0x15: {  	[sflag:s12] =	ssyncadd.s32 $0xFFFFC280  }
0x16: {  	_ =	swait.ge [sflag:s13], $0x2400  }
0x17: {  	[sflag:s13] =	ssyncset.done $0x0  }
0x18: {  	[sflag:s13] =	ssyncadd.s32 $0xFFFFDC00  }
0x19: {  	_ =	swait.ge [sflag:s14], $0x10000  }
0x1a: {  	[sflag:s14] =	ssyncset.done $0x0  }
0x1b: {  	s19 =	simm.s32 $0x14710;
	[sflag:s14] =	ssyncadd.s32 $0xFFFF0000  }
0x1c: {  	v0 =	vld [tilespmem:s19+$0xFFFFE160]  }
0x1d: {  	v1 =	vld [tilespmem:s19+$0xFFFFE100]  }
0x1e: {  	v2 =	vld [tilespmem:s19+$0xFFFFE110]  }
0x1f: {  	v3 =	vld [tilespmem:s19+$0xFFFFE120]  }
0x20: {  	v6 =	vld [tilespmem:s19+$0xFFFFE130]  }
0x21: {  	v7 =	vld [tilespmem:s19+$0xFFFFE140]  }
0x22: {  	v10 =	vld [tilespmem:s19+$0x0]  }
0x23: {  	v8 =	vld [tilespmem:s19+$0xFFFFE150]  }
0x24: {  	v9 =	vld [tilespmem:s19+$0xFFFFE0F0]  }
0x25: {  	v12 =	vld [tilespmem:s19+$0xFFFFFF90]  }
0x26: {  	v11 =	vld [tilespmem:s19+$0xFFFFFFA0]  }
0x27: {  	v14 =	vld.idx.msk [tilespmem:v0+s8+$0x0], $0xffff  }
0x28: {  	v5 =	vld.idx.msk [tilespmem:v1+s8+$0x0], $0xffff  }
0x29: {  	v4 =	vld.idx.msk [tilespmem:v2+s8+$0x0], $0xffff  }
0x2a: {  	v3 =	vld.idx.msk [tilespmem:v3+s8+$0x0], $0xffff  }
0x2b: {  	v2 =	vld.idx.msk [tilespmem:v6+s8+$0x0], $0xffff  }
0x2c: {  	v0 =	vld.idx.msk [tilespmem:v7+s8+$0x0], $0xffff  }
0x2d: {  	v1 =	vld.idx.msk [tilespmem:v8+s8+$0x0], $0xffff  }
0x2e: {  	v13 =	vld.idx.msk [tilespmem:v9+s8+$0x0], $0xffff  }
0x2f: {  	v9 =	vld [tilespmem:s19+$0xFFFFFFB0]  }
0x30: {  	v8 =	vld [tilespmem:s19+$0xFFFFFFC0]  }
0x31: {  	v6 =	vld [tilespmem:s19+$0xFFFFFFD0]  }
0x32: {  	s18 =	simm.s32 $0x0;
	v7 =	vld [tilespmem:s19+$0xFFFFFFE0]  }
0x33: {  	s16 =	simm.s32 $0x1E70;
	s17 =	simm.s32 $0x16520;
	[tilespmem:v10+s2+$0x0] =	vst.idx.msk $0xffff, v14;
	v10 =	vld [tilespmem:s19+$0xFFFFFFF0];
	s19 =	simm.s32 $0x14790  }
.LBB2_2:
0x34: {  	v14 =	vld [tilespmem:s19+$0xFFFFE160];
	s18 =	sadd.s32 $0x80, s18;
	[tilespmem:v12+s2+$0x0] =	vst.idx.msk $0xffff, v13  }
0x35: {  	v12 =	vld [tilespmem:s19+$0xFFFFE100];
	p0 =	slt.u32 s18, $0x1E00  }
0x36: {  	v13 =	vld [tilespmem:s19+$0xFFFFE110];
	[tilespmem:v11+s2+$0x0] =	vst.idx.msk $0xffff, v5  }
0x37: {  	v11 =	vld [tilespmem:s19+$0xFFFFE120];
	[tilespmem:v9+s2+$0x0] =	vst.idx.msk $0xffff, v4  }
0x38: {  	v9 =	vld [tilespmem:s19+$0xFFFFE130];
	[tilespmem:v8+s2+$0x0] =	vst.idx.msk $0xffff, v3  }
0x39: {  	v8 =	vld [tilespmem:s19+$0xFFFFE140];
	[tilespmem:v6+s2+$0x0] =	vst.idx.msk $0xffff, v2  }
0x3a: {  	v6 =	vld [tilespmem:s19+$0x0];
	[tilespmem:v7+s2+$0x0] =	vst.idx.msk $0xffff, v0  }
0x3b: {  	v7 =	vld [tilespmem:s19+$0xFFFFE150];
	[tilespmem:v10+s2+$0x0] =	vst.idx.msk $0xffff, v1  }
0x3c: {  	v1 =	vld.idx.msk [tilespmem:v14+s8+$0x0], $0xffff  }
0x3d: {  	v10 =	vld [tilespmem:s19+$0xFFFFE0F0]  }
0x3e: {  	v5 =	vld.idx.msk [tilespmem:v12+s8+$0x0], $0xffff  }
0x3f: {  	v4 =	vld.idx.msk [tilespmem:v13+s8+$0x0], $0xffff  }
0x40: {  	v3 =	vld.idx.msk [tilespmem:v11+s8+$0x0], $0xffff  }
0x41: {  	v2 =	vld.idx.msk [tilespmem:v9+s8+$0x0], $0xffff  }
0x42: {  	v0 =	vld.idx.msk [tilespmem:v8+s8+$0x0], $0xffff;
	[tilespmem:v6+s2+$0x0] =	vst.idx.msk $0xffff, v1  }
0x43: {  	v1 =	vld.idx.msk [tilespmem:v7+s8+$0x0], $0xffff  }
0x44: {  	v12 =	vld [tilespmem:s19+$0xFFFFFF90]  }
0x45: {  	v13 =	vld.idx.msk [tilespmem:v10+s8+$0x0], $0xffff  }
0x46: {  	v11 =	vld [tilespmem:s19+$0xFFFFFFA0]  }
.Ltmp0:
0x47: {  	v9 =	vld [tilespmem:s19+$0xFFFFFFB0];
	(pc) =	sbr.rel @p0 .LBB2_2-.Ltmp0, $4  }
0x48: {  	v8 =	vld [tilespmem:s19+$0xFFFFFFC0]  }
0x49: {  	v6 =	vld [tilespmem:s19+$0xFFFFFFD0]  }
0x4a: {  	v7 =	vld [tilespmem:s19+$0xFFFFFFE0]  }
0x4b: {  	v10 =	vld [tilespmem:s19+$0xFFFFFFF0];
	s19 =	sadd.s32 $0x80, s19  }
0x4c: {  	_ =	sdelay $0x3  }
0x4d: {  	[tilespmem:v12+s2+$0x0] =	vst.idx.msk $0xffff, v13  }
0x4e: {  	[tilespmem:v11+s2+$0x0] =	vst.idx.msk $0xffff, v5  }
0x4f: {  	[tilespmem:v9+s2+$0x0] =	vst.idx.msk $0xffff, v4  }
0x50: {  	[tilespmem:v8+s2+$0x0] =	vst.idx.msk $0xffff, v3  }
0x51: {  	[tilespmem:v6+s2+$0x0] =	vst.idx.msk $0xffff, v2  }
0x52: {  	[tilespmem:v7+s2+$0x0] =	vst.idx.msk $0xffff, v0  }
0x53: {  	[tilespmem:v10+s2+$0x0] =	vst.idx.msk $0xffff, v1  }
.LBB2_4:
0x54: {  	v0 =	vld [tilespmem:s17+$0xFFFFE160];
	_ =	sdelay $0x4  }
0x55: {  	v1 =	vld [tilespmem:s17+$0x0];
	_ =	sdelay $0x1  }
0x56: {  	s16 =	sadd.s32 $0x10, s16  }
0x57: {  	p0 =	slt.u32 s16, $0x1E90;
	v0 =	vld.idx.msk [tilespmem:v0+s8+$0x0], $0xffff  }
.Ltmp1:
0x58: {  	_ = 	snop;
	(pc) =	sbr.rel @p0 .LBB2_4-.Ltmp1, $2  }
0x59: {  	_ =	sdelay $0x2  }
0x5a: {  	s17 =	sadd.s32 $0x10, s17;
	[tilespmem:v1+s2+$0x0] =	vst.idx.msk $0xffff, v0  }
0x5b: {  	s15 =	sadd.s32 $0x1, s15  }
0x5c: {  	p0 =	sne.s32 s15, s7  }
.Ltmp2:
0x5d: {  	_ = 	snop;
	(pc) =	sbr.rel @p0 .LBB2_1-.Ltmp2, $4  }
0x5e: {  	[hbm4b:s6+s2] =	stream.linear.scatter [tilespmem:s2], [sflag:$0x3], $0x10000, $0x38;
	[tilespmem:$0x16580] =	vst v63  }
0x5f: {  	_ =	swait.ge [sflag:s12], $0x10000  }
0x60: {  	[sflag:s12] =	ssyncset.done $0x0  }
0x61: {  	[sflag:s12] =	ssyncadd.s32 $0xFFFF0000  }
0x62: {  	_ =	sfence.sel $0x180000  }
0x63: {  	[bflag:$0x0] =	sbarrier.arrive $0xFFFF  }
0x64: {  	p0 =	sne.s32 s0, $0x0;
	_ =	strace $0x9000004A  }
0x65: {  	s0 =	sadd.s32 @!p0 $0x100000, s1;
	[bflag:$0x2] =	sbarrier.arrive $0xFFFF  }
0x66: {  	[sflag:s0] =	ssyncadd.tile.s32 @!p0 $0x1;
	_ =	shalt  }
.Lfunc_end2:
_tile_overlayer_lowered:
.L_overlay_start_2:
0x67: {  	(tag) =	ssettag $0x2  }
0x68: {  	s0 =	rddreg [dreg:$0x0];
	s2 =	stileid.u32  }
0x69: {  	s1 =	rddreg [dreg:$0x1];
	p0 =	sne.s32 s2, $0x0  }
0x6a: {  	s3 =	rddreg [dreg:$0x2];
	[bflag:$0x3] =	sbarrier.arrive $0xFFFF;
	s2 =	simm.s32 @!p0 $0x1C03  }
0x6b: {  	[timem:s3], [sflag:s2] =	dma.local @!p0 [hbm:s0], s1  }
0x6c: {  	s0 =	simm.s32 @!p0 $0x3  }
0x6d: {  	_ =	swait.ge @!p0 [sflag:s0], s1  }
0x6e: {  	s1 =	ssub.s32 @!p0 $0x0, s1;
	[sflag:s0] =	ssyncset.done @!p0 $0x0  }
0x6f: {  	[sflag:s0] =	ssyncadd.s32 @!p0 s1  }
0x70: {  	[bflag:$0x3] =	sbarrier.arrive $0xFFFF  }
0x71: {  	_ =	shalt  }

</sc_bundles>
